<compile_context>
chip_gen: v7x
topology: tpu7x:2x2x1
jax: 0.10.2.dev20260603
libtpu: 0.0.44.dev20260713+nightly
codegen_flags: <defaults>
</compile_context>

<pallas_src>
import functools

import jax
import jax.numpy as jnp
from jax import lax
from jax.experimental import pallas as pl
from jax.experimental.pallas import tpu as pltpu
from jax.experimental.pallas import tpu_sc as plsc

_B = 16384
_D = 16
_N = 1000000
_PLANES = 8
_NLINES = 131072
_LB = 4096
_CHUNK = 128
_BLK = 4096


def _transform_body(*refs):
    xu = refs[:_PLANES]
    xi = refs[_PLANES:2 * _PLANES]
    wut_ref, wit_ref, yu_ref, yi_ref = refs[2 * _PLANES:]
    dn = (((1,), (0,)), ((), ()))

    def pack(wt_ref, planes):
        z = jnp.concatenate(
            [lax.dot_general(wt_ref[...], p[...], dn,
                             preferred_element_type=jnp.float32)
             for p in planes], axis=0)
        return lax.transpose(z, (1, 0))

    yu_ref[...] = pack(wut_ref, xu)
    yi_ref[...] = pack(wit_ref, xi)


def _tc_transform(u_table, i_table, w1ut, w1it):
    xu = u_table.T
    xi = i_table.T
    n_blocks = _NLINES // _LB
    bpp = _NLINES // _LB
    last_blk = (_N - 1) // _LB

    def spec(s):
        return pl.BlockSpec(
            (_D, _LB), lambda b, s=s: (0, jnp.minimum(s * bpp + b, last_blk)))

    yu, yi = pl.pallas_call(
        _transform_body,
        grid=(n_blocks,),
        in_specs=([spec(s) for s in range(_PLANES)]
                  + [spec(s) for s in range(_PLANES)]
                  + [pl.BlockSpec((_D, _D), lambda b: (0, 0))] * 2),
        out_specs=[pl.BlockSpec((_LB, 128), lambda b: (b, 0))] * 2,
        out_shape=[jax.ShapeDtypeStruct((_NLINES, 128), jnp.float32)] * 2,
    )(*([xu] * _PLANES + [xi] * _PLANES + [w1ut, w1it]))
    return yu, yi


def _sc_gather_lines(u_idx, i_idx, u_lines, i_lines):
    info = plsc.get_sparse_core_info()
    nw = info.num_cores * info.num_subcores
    b_per_w = _B // nw
    n_chunks = b_per_w // _CHUNK
    n_grp = _CHUNK // info.num_lanes

    u_idx_r = u_idx.reshape(nw, n_chunks, _CHUNK)
    i_idx_r = i_idx.reshape(nw, n_chunks, _CHUNK)

    mesh = plsc.VectorSubcoreMesh(core_axis_name="c", subcore_axis_name="s")
    out_sds = jax.ShapeDtypeStruct((nw, n_chunks, _CHUNK, 128), jnp.float32)

    @functools.partial(
        pl.kernel,
        mesh=mesh,
        out_type=(out_sds, out_sds),
        scratch_types=[
            pltpu.VMEM((n_chunks, _CHUNK), jnp.int32),
            pltpu.VMEM((n_chunks, _CHUNK), jnp.int32),
            pltpu.VMEM((n_chunks, _CHUNK), jnp.int32),
            pltpu.VMEM((n_chunks, _CHUNK), jnp.int32),
            pltpu.VMEM((2, _CHUNK, 128), jnp.float32),
            pltpu.VMEM((2, _CHUNK, 128), jnp.float32),
            pltpu.SemaphoreType.DMA,
            pltpu.SemaphoreType.DMA,
            pltpu.SemaphoreType.DMA,
            pltpu.SemaphoreType.DMA,
        ],
    )
    def gather_kernel(u_tab, i_tab, u_idx_hbm, i_idx_hbm, u_out, i_out,
                      uidx_v, iidx_v, uline_v, iline_v, ubuf, ibuf,
                      sem_u0, sem_u1, sem_i0, sem_i1):
        wid = lax.axis_index("s") * info.num_cores + lax.axis_index("c")
        pltpu.sync_copy(u_idx_hbm.at[wid], uidx_v)
        pltpu.sync_copy(i_idx_hbm.at[wid], iidx_v)
        L = info.num_lanes
        for j in range(n_chunks):
            for g in range(n_grp):
                sl = pl.ds(g * L, L)
                uline_v[j, sl] = lax.bitwise_and(uidx_v[j, sl], _NLINES - 1)
                iline_v[j, sl] = lax.bitwise_and(iidx_v[j, sl], _NLINES - 1)
        sems_u = (sem_u0, sem_u1)
        sems_i = (sem_i0, sem_i1)

        def fire(j):
            p = j % 2
            cu = pltpu.async_copy(u_tab.at[uline_v.at[j]], ubuf.at[p], sems_u[p])
            ci = pltpu.async_copy(i_tab.at[iline_v.at[j]], ibuf.at[p], sems_i[p])
            return cu, ci

        pending = fire(0)
        for j in range(n_chunks):
            cu, ci = pending
            cu.wait()
            ci.wait()
            if j + 1 < n_chunks:
                pending = fire(j + 1)
            p = j % 2
            pltpu.sync_copy(ubuf.at[p], u_out.at[wid, j])
            pltpu.sync_copy(ibuf.at[p], i_out.at[wid, j])

    u_g, i_g = gather_kernel(u_lines, i_lines, u_idx_r, i_idx_r)
    return u_g.reshape(_B, 128), i_g.reshape(_B, 128)


def _mlp_body(u_ref, i_ref, ohu_ref, ohi_ref, e_ref, s_ref, b1_ref,
              w2_ref, b2_ref, w3_ref, b3_ref, o_ref):
    dn = (((1,), (0,)), ((), ()))

    def pick(g_ref, oh_ref):
        mask = lax.dot_general(oh_ref[...], e_ref[...], dn,
                               preferred_element_type=jnp.float32)
        return lax.dot_general(g_ref[...] * mask, s_ref[...], dn,
                               preferred_element_type=jnp.float32)

    h = pick(u_ref, ohu_ref) + pick(i_ref, ohi_ref) + b1_ref[...]
    h = jnp.maximum(h, 0.0)
    h = jnp.dot(h, w2_ref[...], preferred_element_type=jnp.float32) + b2_ref[...]
    h = jnp.maximum(h, 0.0)
    z = jnp.sum(h * w3_ref[...], axis=1, keepdims=True) + b3_ref[...]
    o_ref[...] = 1.0 / (1.0 + jnp.exp(-z))


def _tc_mlp(u_g, i_g, u_idx, i_idx, b1, W2, b2, W3, b3):
    oh_u = jax.nn.one_hot(lax.shift_right_logical(u_idx, 17), _PLANES,
                          dtype=jnp.float32)
    oh_i = jax.nn.one_hot(lax.shift_right_logical(i_idx, 17), _PLANES,
                          dtype=jnp.float32)
    emat = jnp.repeat(jnp.eye(_PLANES, dtype=jnp.float32), _D, axis=1)
    smat = jnp.tile(jnp.eye(_D, dtype=jnp.float32), (_PLANES, 1))
    b1r = b1.reshape(1, -1)
    b2r = b2.reshape(1, -1)
    w3r = W3.reshape(1, -1)
    b3r = b3.reshape(1, 1)
    nb = _B // _BLK
    blk = lambda r, c: pl.BlockSpec((r, c), lambda b: (b, 0))
    full = lambda a: pl.BlockSpec(a.shape, lambda b: (0,) * a.ndim)
    out = pl.pallas_call(
        _mlp_body,
        grid=(nb,),
        in_specs=[
            blk(_BLK, 128), blk(_BLK, 128),
            blk(_BLK, _PLANES), blk(_BLK, _PLANES),
            full(emat), full(smat),
            full(b1r), full(W2), full(b2r), full(w3r), full(b3r),
        ],
        out_specs=blk(_BLK, 1),
        out_shape=jax.ShapeDtypeStruct((_B, 1), jnp.float32),
    )(u_g, i_g, oh_u, oh_i, emat, smat, b1r, W2, b2r, w3r, b3r)
    return out.reshape(-1)


def kernel(u_idx, i_idx, u_table, i_table, W1, b1, W2, b2, W3, b3):
    yu, yi = _tc_transform(u_table, i_table, W1[:_D, :].T, W1[_D:, :].T)
    u_g, i_g = _sc_gather_lines(u_idx, i_idx, yu, yi)
    return _tc_mlp(u_g, i_g, u_idx, i_idx, b1, W2, b2, W3, b3)

# --- scband reference (transcript-rebuilt; emitter-appended) ---
"""Pipeline reference for scband-ncf-33852932227778 (READ-ONLY COPY).

The authoritative reference and input builder live on the scoring server;
editing this copy changes nothing except your own understanding.
"""

import jax, jax.numpy as jnp
import numpy as np

B = 16384
U = 1000000
I = 1000000
D = 16

def setup_inputs(seed: int = 0) -> dict:
    key = jax.random.key(seed)
    ks = jax.random.split(key, 12)
    u_idx = jax.random.randint(ks[0], (B,), 0, U)
    i_idx = jax.random.randint(ks[1], (B,), 0, I)
    u_table = jax.random.normal(ks[2], (U, D), dtype=jnp.float32) * 0.05
    i_table = jax.random.normal(ks[3], (I, D), dtype=jnp.float32) * 0.05
    W1 = jax.random.normal(ks[4], (2 * D, 16), dtype=jnp.float32) * 0.1
    b1 = jnp.zeros((16,), dtype=jnp.float32)
    W2 = jax.random.normal(ks[5], (16, 8), dtype=jnp.float32) * 0.1
    b2 = jnp.zeros((8,), dtype=jnp.float32)
    W3 = jax.random.normal(ks[6], (8, 1), dtype=jnp.float32) * 0.1
    b3 = jnp.zeros((1,), dtype=jnp.float32)
    return {"u_idx": u_idx, "i_idx": i_idx, "u_table": u_table, "i_table": i_table,
            "W1": W1, "b1": b1, "W2": W2, "b2": b2, "W3": W3, "b3": b3}

def reference(u_idx, i_idx, u_table, i_table, W1, b1, W2, b2, W3, b3):
    u_embed = jnp.take(u_table, u_idx, axis=0)
    i_embed = jnp.take(i_table, i_idx, axis=0)
    h = jnp.concatenate([u_embed, i_embed], axis=1)
    h = jax.nn.relu(h @ W1 + b1)
    h = jax.nn.relu(h @ W2 + b2)
    out = jax.nn.sigmoid(h @ W3 + b3)
    return out.reshape(-1)

if __name__ == "__main__":
    import jax
    _d = setup_inputs()
    print(jax.jit(kernel)(*tuple(_d.values())))

</pallas_src>

<mosaic_0001>
#map = affine_map<(d0, d1) -> (0, 0)>
#map1 = affine_map<(d0, d1) -> (0, 0, 0)>
#map2 = affine_map<(d0, d1) -> (0, 0, 0, 0)>
module attributes {stable_mosaic.version = 14 : i64} {
  func.func @gather_kernel(%arg0: i32, %arg1: i32, %arg2: memref<131072x128xf32, #tpu.memory_space<hbm>>, %arg3: memref<131072x128xf32, #tpu.memory_space<hbm>>, %arg4: memref<32x4x128xi32, #tpu.memory_space<hbm>>, %arg5: memref<32x4x128xi32, #tpu.memory_space<hbm>>, %arg6: memref<32x4x128x128xf32, #tpu.memory_space<hbm>>, %arg7: memref<32x4x128x128xf32, #tpu.memory_space<hbm>>, %arg8: memref<4x128xi32, #tpu.memory_space<vmem>>, %arg9: memref<4x128xi32, #tpu.memory_space<vmem>>, %arg10: memref<4x128xi32, #tpu.memory_space<vmem>>, %arg11: memref<4x128xi32, #tpu.memory_space<vmem>>, %arg12: memref<2x128x128xf32, #tpu.memory_space<vmem>>, %arg13: memref<2x128x128xf32, #tpu.memory_space<vmem>>, %arg14: memref<!tpu.dma_semaphore, #tpu.memory_space<semaphore_mem>>, %arg15: memref<!tpu.dma_semaphore, #tpu.memory_space<semaphore_mem>>, %arg16: memref<!tpu.dma_semaphore, #tpu.memory_space<semaphore_mem>>, %arg17: memref<!tpu.dma_semaphore, #tpu.memory_space<semaphore_mem>>) attributes {dimension_semantics = [#tpu.dimension_semantics<core_parallel>, #tpu.dimension_semantics<subcore_parallel>], iteration_bounds = array<i64: 2, 16>, scalar_prefetch = 0 : i64, scratch_operands = 10 : i64, tpu.core_type = #tpu.core_type<sc_vector_subcore>, window_params = [{transform_indices = #map}, {transform_indices = #map}, {transform_indices = #map1}, {transform_indices = #map1}, {transform_indices = #map2}, {transform_indices = #map2}]} {
    %mul3A = arith.constant 2 : i32
    %mul3A_0 = arith.muli %arg1, %mul3A : i32
    %add3A = arith.addi %mul3A_0, %arg0 : i32
    "tpu.region"() ({
      %run_scoped3A_1099 = tpu.sem_alloc : memref<!tpu.dma_semaphore, #tpu.memory_space<semaphore_mem>>
      %dma_start3A_1100 = arith.constant 0 : i32
      %dma_start3A_1101 = arith.constant 0 : i32
      %dma_start3A_1102 = tpu.memref_slice %arg4[%add3A, %dma_start3A_1100, %dma_start3A_1101] : memref<32x4x128xi32, #tpu.memory_space<hbm>> -> memref<1x4x128xi32, #tpu.memory_space<hbm>>
      %dma_start3A_1103 = tpu.memref_squeeze %dma_start3A_1102 : memref<1x4x128xi32, #tpu.memory_space<hbm>> -> memref<4x128xi32, #tpu.memory_space<hbm>>
      %dma_start3A_1104 = arith.constant 0 : i32
      %dma_start3A_1105 = arith.constant 0 : i32
      %dma_start3A_1106 = tpu.memref_slice %arg4[%add3A, %dma_start3A_1104, %dma_start3A_1105] : memref<32x4x128xi32, #tpu.memory_space<hbm>> -> memref<1x4x128xi32, #tpu.memory_space<hbm>>
      %dma_start3A_1107 = tpu.memref_squeeze %dma_start3A_1106 : memref<1x4x128xi32, #tpu.memory_space<hbm>> -> memref<4x128xi32, #tpu.memory_space<hbm>>
      tpu.enqueue_dma source(%dma_start3A_1107 : memref<4x128xi32, #tpu.memory_space<hbm>>) target(%arg8 : memref<4x128xi32, #tpu.memory_space<vmem>>) target_semaphore(%run_scoped3A_1099 : memref<!tpu.dma_semaphore, #tpu.memory_space<semaphore_mem>>)
      %dma_wait3A_1108 = arith.constant 0 : i32
      %dma_wait3A_1109 = arith.constant 0 : i32
      %dma_wait3A_1110 = tpu.memref_slice %arg4[%add3A, %dma_wait3A_1108, %dma_wait3A_1109] : memref<32x4x128xi32, #tpu.memory_space<hbm>> -> memref<1x4x128xi32, #tpu.memory_space<hbm>>
      %dma_wait3A_1111 = tpu.memref_squeeze %dma_wait3A_1110 : memref<1x4x128xi32, #tpu.memory_space<hbm>> -> memref<4x128xi32, #tpu.memory_space<hbm>>
      %dma_wait3A_1112 = arith.constant 0 : i32
      %dma_wait3A_1113 = arith.constant 0 : i32
      %dma_wait3A_1114 = tpu.memref_slice %arg4[%add3A, %dma_wait3A_1112, %dma_wait3A_1113] : memref<32x4x128xi32, #tpu.memory_space<hbm>> -> memref<1x4x128xi32, #tpu.memory_space<hbm>>
      %dma_wait3A_1115 = tpu.memref_squeeze %dma_wait3A_1114 : memref<1x4x128xi32, #tpu.memory_space<hbm>> -> memref<4x128xi32, #tpu.memory_space<hbm>>
      tpu.wait_dma2 semaphore(%run_scoped3A_1099 : memref<!tpu.dma_semaphore, #tpu.memory_space<semaphore_mem>>) src(%dma_wait3A_1115 : memref<4x128xi32, #tpu.memory_space<hbm>>) dst(%arg8 : memref<4x128xi32, #tpu.memory_space<vmem>>)
      tpu.yield
    }) : () -> ()
    "tpu.region"() ({
      %run_scoped3A_1099 = tpu.sem_alloc : memref<!tpu.dma_semaphore, #tpu.memory_space<semaphore_mem>>
      %dma_start3A_1100 = arith.constant 0 : i32
      %dma_start3A_1101 = arith.constant 0 : i32
      %dma_start3A_1102 = tpu.memref_slice %arg5[%add3A, %dma_start3A_1100, %dma_start3A_1101] : memref<32x4x128xi32, #tpu.memory_space<hbm>> -> memref<1x4x128xi32, #tpu.memory_space<hbm>>
      %dma_start3A_1103 = tpu.memref_squeeze %dma_start3A_1102 : memref<1x4x128xi32, #tpu.memory_space<hbm>> -> memref<4x128xi32, #tpu.memory_space<hbm>>
      %dma_start3A_1104 = arith.constant 0 : i32
      %dma_start3A_1105 = arith.constant 0 : i32
      %dma_start3A_1106 = tpu.memref_slice %arg5[%add3A, %dma_start3A_1104, %dma_start3A_1105] : memref<32x4x128xi32, #tpu.memory_space<hbm>> -> memref<1x4x128xi32, #tpu.memory_space<hbm>>
      %dma_start3A_1107 = tpu.memref_squeeze %dma_start3A_1106 : memref<1x4x128xi32, #tpu.memory_space<hbm>> -> memref<4x128xi32, #tpu.memory_space<hbm>>
      tpu.enqueue_dma source(%dma_start3A_1107 : memref<4x128xi32, #tpu.memory_space<hbm>>) target(%arg9 : memref<4x128xi32, #tpu.memory_space<vmem>>) target_semaphore(%run_scoped3A_1099 : memref<!tpu.dma_semaphore, #tpu.memory_space<semaphore_mem>>)
      %dma_wait3A_1108 = arith.constant 0 : i32
      %dma_wait3A_1109 = arith.constant 0 : i32
      %dma_wait3A_1110 = tpu.memref_slice %arg5[%add3A, %dma_wait3A_1108, %dma_wait3A_1109] : memref<32x4x128xi32, #tpu.memory_space<hbm>> -> memref<1x4x128xi32, #tpu.memory_space<hbm>>
      %dma_wait3A_1111 = tpu.memref_squeeze %dma_wait3A_1110 : memref<1x4x128xi32, #tpu.memory_space<hbm>> -> memref<4x128xi32, #tpu.memory_space<hbm>>
      %dma_wait3A_1112 = arith.constant 0 : i32
      %dma_wait3A_1113 = arith.constant 0 : i32
      %dma_wait3A_1114 = tpu.memref_slice %arg5[%add3A, %dma_wait3A_1112, %dma_wait3A_1113] : memref<32x4x128xi32, #tpu.memory_space<hbm>> -> memref<1x4x128xi32, #tpu.memory_space<hbm>>
      %dma_wait3A_1115 = tpu.memref_squeeze %dma_wait3A_1114 : memref<1x4x128xi32, #tpu.memory_space<hbm>> -> memref<4x128xi32, #tpu.memory_space<hbm>>
      tpu.wait_dma2 semaphore(%run_scoped3A_1099 : memref<!tpu.dma_semaphore, #tpu.memory_space<semaphore_mem>>) src(%dma_wait3A_1115 : memref<4x128xi32, #tpu.memory_space<hbm>>) dst(%arg9 : memref<4x128xi32, #tpu.memory_space<vmem>>)
      tpu.yield
    }) : () -> ()
    %get3A = arith.constant 0 : i32
    %get3A_1 = arith.index_cast %get3A : i32 to index
    %get3A_2 = arith.constant 0 : index
    %get3A_3 = tpu.vector_load %arg8[%get3A_1, %get3A_2] {strides = array<i32>} : memref<4x128xi32, #tpu.memory_space<vmem>>, vector<1x16xi32>,
    %get3A_4 = vector.shape_cast %get3A_3 : vector<1x16xi32> to vector<16xi32>
    %and3A = arith.constant 131071 : i32
    %and3A_5 = vector.broadcast %and3A : i32 to vector<16xi32>
    %and3A_6 = arith.andi %get3A_4, %and3A_5 : vector<16xi32>
    %swap3A = arith.constant 0 : i32
    %swap3A_7 = arith.index_cast %swap3A : i32 to index
    %swap3A_8 = arith.constant 0 : index
    %swap3A_9 = tpu.vector_load %arg10[%swap3A_7, %swap3A_8] {strides = array<i32>} : memref<4x128xi32, #tpu.memory_space<vmem>>, vector<1x16xi32>,
    %swap3A_10 = vector.shape_cast %swap3A_9 : vector<1x16xi32> to vector<16xi32>
    %swap3A_11 = vector.shape_cast %and3A_6 : vector<16xi32> to vector<1x16xi32>
    tpu.vector_store %arg10[%swap3A_7, %swap3A_8], %swap3A_11 {strides = array<i32>} : memref<4x128xi32, #tpu.memory_space<vmem>>, vector<1x16xi32>,
    %get3A_12 = arith.constant 0 : i32
    %get3A_13 = arith.index_cast %get3A_12 : i32 to index
    %get3A_14 = arith.constant 0 : index
    %get3A_15 = tpu.vector_load %arg9[%get3A_13, %get3A_14] {strides = array<i32>} : memref<4x128xi32, #tpu.memory_space<vmem>>, vector<1x16xi32>,
    %get3A_16 = vector.shape_cast %get3A_15 : vector<1x16xi32> to vector<16xi32>
    %and3A_17 = arith.constant 131071 : i32
    %and3A_18 = vector.broadcast %and3A_17 : i32 to vector<16xi32>
    %and3A_19 = arith.andi %get3A_16, %and3A_18 : vector<16xi32>
    %swap3A_20 = arith.constant 0 : i32
    %swap3A_21 = arith.index_cast %swap3A_20 : i32 to index
    %swap3A_22 = arith.constant 0 : index
    %swap3A_23 = tpu.vector_load %arg11[%swap3A_21, %swap3A_22] {strides = array<i32>} : memref<4x128xi32, #tpu.memory_space<vmem>>, vector<1x16xi32>,
    %swap3A_24 = vector.shape_cast %swap3A_23 : vector<1x16xi32> to vector<16xi32>
    %swap3A_25 = vector.shape_cast %and3A_19 : vector<16xi32> to vector<1x16xi32>
    tpu.vector_store %arg11[%swap3A_21, %swap3A_22], %swap3A_25 {strides = array<i32>} : memref<4x128xi32, #tpu.memory_space<vmem>>, vector<1x16xi32>,
    %get3A_26 = arith.constant 0 : i32
    %get3A_27 = arith.index_cast %get3A_26 : i32 to index
    %get3A_28 = arith.constant 16 : index
    %get3A_29 = tpu.vector_load %arg8[%get3A_27, %get3A_28] {strides = array<i32>} : memref<4x128xi32, #tpu.memory_space<vmem>>, vector<1x16xi32>,
    %get3A_30 = vector.shape_cast %get3A_29 : vector<1x16xi32> to vector<16xi32>
    %and3A_31 = arith.constant 131071 : i32
    %and3A_32 = vector.broadcast %and3A_31 : i32 to vector<16xi32>
    %and3A_33 = arith.andi %get3A_30, %and3A_32 : vector<16xi32>
    %swap3A_34 = arith.constant 0 : i32
    %swap3A_35 = arith.index_cast %swap3A_34 : i32 to index
    %swap3A_36 = arith.constant 16 : index
    %swap3A_37 = tpu.vector_load %arg10[%swap3A_35, %swap3A_36] {strides = array<i32>} : memref<4x128xi32, #tpu.memory_space<vmem>>, vector<1x16xi32>,
    %swap3A_38 = vector.shape_cast %swap3A_37 : vector<1x16xi32> to vector<16xi32>
    %swap3A_39 = vector.shape_cast %and3A_33 : vector<16xi32> to vector<1x16xi32>
    tpu.vector_store %arg10[%swap3A_35, %swap3A_36], %swap3A_39 {strides = array<i32>} : memref<4x128xi32, #tpu.memory_space<vmem>>, vector<1x16xi32>,
    %get3A_40 = arith.constant 0 : i32
    %get3A_41 = arith.index_cast %get3A_40 : i32 to index
    %get3A_42 = arith.constant 16 : index
    %get3A_43 = tpu.vector_load %arg9[%get3A_41, %get3A_42] {strides = array<i32>} : memref<4x128xi32, #tpu.memory_space<vmem>>, vector<1x16xi32>,
    %get3A_44 = vector.shape_cast %get3A_43 : vector<1x16xi32> to vector<16xi32>
    %and3A_45 = arith.constant 131071 : i32
    %and3A_46 = vector.broadcast %and3A_45 : i32 to vector<16xi32>
    %and3A_47 = arith.andi %get3A_44, %and3A_46 : vector<16xi32>
    %swap3A_48 = arith.constant 0 : i32
    %swap3A_49 = arith.index_cast %swap3A_48 : i32 to index
    %swap3A_50 = arith.constant 16 : index
    %swap3A_51 = tpu.vector_load %arg11[%swap3A_49, %swap3A_50] {strides = array<i32>} : memref<4x128xi32, #tpu.memory_space<vmem>>, vector<1x16xi32>,
    %swap3A_52 = vector.shape_cast %swap3A_51 : vector<1x16xi32> to vector<16xi32>
    %swap3A_53 = vector.shape_cast %and3A_47 : vector<16xi32> to vector<1x16xi32>
    tpu.vector_store %arg11[%swap3A_49, %swap3A_50], %swap3A_53 {strides = array<i32>} : memref<4x128xi32, #tpu.memory_space<vmem>>, vector<1x16xi32>,
    %get3A_54 = arith.constant 0 : i32
    %get3A_55 = arith.index_cast %get3A_54 : i32 to index
    %get3A_56 = arith.constant 32 : index
    %get3A_57 = tpu.vector_load %arg8[%get3A_55, %get3A_56] {strides = array<i32>} : memref<4x128xi32, #tpu.memory_space<vmem>>, vector<1x16xi32>,
    %get3A_58 = vector.shape_cast %get3A_57 : vector<1x16xi32> to vector<16xi32>
    %and3A_59 = arith.constant 131071 : i32
    %and3A_60 = vector.broadcast %and3A_59 : i32 to vector<16xi32>
    %and3A_61 = arith.andi %get3A_58, %and3A_60 : vector<16xi32>
    %swap3A_62 = arith.constant 0 : i32
    %swap3A_63 = arith.index_cast %swap3A_62 : i32 to index
    %swap3A_64 = arith.constant 32 : index
    %swap3A_65 = tpu.vector_load %arg10[%swap3A_63, %swap3A_64] {strides = array<i32>} : memref<4x128xi32, #tpu.memory_space<vmem>>, vector<1x16xi32>,
    %swap3A_66 = vector.shape_cast %swap3A_65 : vector<1x16xi32> to vector<16xi32>
    %swap3A_67 = vector.shape_cast %and3A_61 : vector<16xi32> to vector<1x16xi32>
    tpu.vector_store %arg10[%swap3A_63, %swap3A_64], %swap3A_67 {strides = array<i32>} : memref<4x128xi32, #tpu.memory_space<vmem>>, vector<1x16xi32>,
    %get3A_68 = arith.constant 0 : i32
    %get3A_69 = arith.index_cast %get3A_68 : i32 to index
    %get3A_70 = arith.constant 32 : index
    %get3A_71 = tpu.vector_load %arg9[%get3A_69, %get3A_70] {strides = array<i32>} : memref<4x128xi32, #tpu.memory_space<vmem>>, vector<1x16xi32>,
    %get3A_72 = vector.shape_cast %get3A_71 : vector<1x16xi32> to vector<16xi32>
    %and3A_73 = arith.constant 131071 : i32
    %and3A_74 = vector.broadcast %and3A_73 : i32 to vector<16xi32>
    %and3A_75 = arith.andi %get3A_72, %and3A_74 : vector<16xi32>
    %swap3A_76 = arith.constant 0 : i32
    %swap3A_77 = arith.index_cast %swap3A_76 : i32 to index
    %swap3A_78 = arith.constant 32 : index
    %swap3A_79 = tpu.vector_load %arg11[%swap3A_77, %swap3A_78] {strides = array<i32>} : memref<4x128xi32, #tpu.memory_space<vmem>>, vector<1x16xi32>,
    %swap3A_80 = vector.shape_cast %swap3A_79 : vector<1x16xi32> to vector<16xi32>
    %swap3A_81 = vector.shape_cast %and3A_75 : vector<16xi32> to vector<1x16xi32>
    tpu.vector_store %arg11[%swap3A_77, %swap3A_78], %swap3A_81 {strides = array<i32>} : memref<4x128xi32, #tpu.memory_space<vmem>>, vector<1x16xi32>,
    %get3A_82 = arith.constant 0 : i32
    %get3A_83 = arith.index_cast %get3A_82 : i32 to index
    %get3A_84 = arith.constant 48 : index
    %get3A_85 = tpu.vector_load %arg8[%get3A_83, %get3A_84] {strides = array<i32>} : memref<4x128xi32, #tpu.memory_space<vmem>>, vector<1x16xi32>,
    %get3A_86 = vector.shape_cast %get3A_85 : vector<1x16xi32> to vector<16xi32>
    %and3A_87 = arith.constant 131071 : i32
    %and3A_88 = vector.broadcast %and3A_87 : i32 to vector<16xi32>
    %and3A_89 = arith.andi %get3A_86, %and3A_88 : vector<16xi32>
    %swap3A_90 = arith.constant 0 : i32
    %swap3A_91 = arith.index_cast %swap3A_90 : i32 to index
    %swap3A_92 = arith.constant 48 : index
    %swap3A_93 = tpu.vector_load %arg10[%swap3A_91, %swap3A_92] {strides = array<i32>} : memref<4x128xi32, #tpu.memory_space<vmem>>, vector<1x16xi32>,
    %swap3A_94 = vector.shape_cast %swap3A_93 : vector<1x16xi32> to vector<16xi32>
    %swap3A_95 = vector.shape_cast %and3A_89 : vector<16xi32> to vector<1x16xi32>
    tpu.vector_store %arg10[%swap3A_91, %swap3A_92], %swap3A_95 {strides = array<i32>} : memref<4x128xi32, #tpu.memory_space<vmem>>, vector<1x16xi32>,
    %get3A_96 = arith.constant 0 : i32
    %get3A_97 = arith.index_cast %get3A_96 : i32 to index
    %get3A_98 = arith.constant 48 : index
    %get3A_99 = tpu.vector_load %arg9[%get3A_97, %get3A_98] {strides = array<i32>} : memref<4x128xi32, #tpu.memory_space<vmem>>, vector<1x16xi32>,
    %get3A_100 = vector.shape_cast %get3A_99 : vector<1x16xi32> to vector<16xi32>
    %and3A_101 = arith.constant 131071 : i32
    %and3A_102 = vector.broadcast %and3A_101 : i32 to vector<16xi32>
    %and3A_103 = arith.andi %get3A_100, %and3A_102 : vector<16xi32>
    %swap3A_104 = arith.constant 0 : i32
    %swap3A_105 = arith.index_cast %swap3A_104 : i32 to index
    %swap3A_106 = arith.constant 48 : index
    %swap3A_107 = tpu.vector_load %arg11[%swap3A_105, %swap3A_106] {strides = array<i32>} : memref<4x128xi32, #tpu.memory_space<vmem>>, vector<1x16xi32>,
    %swap3A_108 = vector.shape_cast %swap3A_107 : vector<1x16xi32> to vector<16xi32>
    %swap3A_109 = vector.shape_cast %and3A_103 : vector<16xi32> to vector<1x16xi32>
    tpu.vector_store %arg11[%swap3A_105, %swap3A_106], %swap3A_109 {strides = array<i32>} : memref<4x128xi32, #tpu.memory_space<vmem>>, vector<1x16xi32>,
    %get3A_110 = arith.constant 0 : i32
    %get3A_111 = arith.index_cast %get3A_110 : i32 to index
    %get3A_112 = arith.constant 64 : index
    %get3A_113 = tpu.vector_load %arg8[%get3A_111, %get3A_112] {strides = array<i32>} : memref<4x128xi32, #tpu.memory_space<vmem>>, vector<1x16xi32>,
    %get3A_114 = vector.shape_cast %get3A_113 : vector<1x16xi32> to vector<16xi32>
    %and3A_115 = arith.constant 131071 : i32
    %and3A_116 = vector.broadcast %and3A_115 : i32 to vector<16xi32>
    %and3A_117 = arith.andi %get3A_114, %and3A_116 : vector<16xi32>
    %swap3A_118 = arith.constant 0 : i32
    %swap3A_119 = arith.index_cast %swap3A_118 : i32 to index
    %swap3A_120 = arith.constant 64 : index
    %swap3A_121 = tpu.vector_load %arg10[%swap3A_119, %swap3A_120] {strides = array<i32>} : memref<4x128xi32, #tpu.memory_space<vmem>>, vector<1x16xi32>,
    %swap3A_122 = vector.shape_cast %swap3A_121 : vector<1x16xi32> to vector<16xi32>
    %swap3A_123 = vector.shape_cast %and3A_117 : vector<16xi32> to vector<1x16xi32>
    tpu.vector_store %arg10[%swap3A_119, %swap3A_120], %swap3A_123 {strides = array<i32>} : memref<4x128xi32, #tpu.memory_space<vmem>>, vector<1x16xi32>,
    %get3A_124 = arith.constant 0 : i32
    %get3A_125 = arith.index_cast %get3A_124 : i32 to index
    %get3A_126 = arith.constant 64 : index
    %get3A_127 = tpu.vector_load %arg9[%get3A_125, %get3A_126] {strides = array<i32>} : memref<4x128xi32, #tpu.memory_space<vmem>>, vector<1x16xi32>,
    %get3A_128 = vector.shape_cast %get3A_127 : vector<1x16xi32> to vector<16xi32>
    %and3A_129 = arith.constant 131071 : i32
    %and3A_130 = vector.broadcast %and3A_129 : i32 to vector<16xi32>
    %and3A_131 = arith.andi %get3A_128, %and3A_130 : vector<16xi32>
    %swap3A_132 = arith.constant 0 : i32
    %swap3A_133 = arith.index_cast %swap3A_132 : i32 to index
    %swap3A_134 = arith.constant 64 : index
    %swap3A_135 = tpu.vector_load %arg11[%swap3A_133, %swap3A_134] {strides = array<i32>} : memref<4x128xi32, #tpu.memory_space<vmem>>, vector<1x16xi32>,
    %swap3A_136 = vector.shape_cast %swap3A_135 : vector<1x16xi32> to vector<16xi32>
    %swap3A_137 = vector.shape_cast %and3A_131 : vector<16xi32> to vector<1x16xi32>
    tpu.vector_store %arg11[%swap3A_133, %swap3A_134], %swap3A_137 {strides = array<i32>} : memref<4x128xi32, #tpu.memory_space<vmem>>, vector<1x16xi32>,
    %get3A_138 = arith.constant 0 : i32
    %get3A_139 = arith.index_cast %get3A_138 : i32 to index
    %get3A_140 = arith.constant 80 : index
    %get3A_141 = tpu.vector_load %arg8[%get3A_139, %get3A_140] {strides = array<i32>} : memref<4x128xi32, #tpu.memory_space<vmem>>, vector<1x16xi32>,
    %get3A_142 = vector.shape_cast %get3A_141 : vector<1x16xi32> to vector<16xi32>
    %and3A_143 = arith.constant 131071 : i32
    %and3A_144 = vector.broadcast %and3A_143 : i32 to vector<16xi32>
    %and3A_145 = arith.andi %get3A_142, %and3A_144 : vector<16xi32>
    %swap3A_146 = arith.constant 0 : i32
    %swap3A_147 = arith.index_cast %swap3A_146 : i32 to index
    %swap3A_148 = arith.constant 80 : index
    %swap3A_149 = tpu.vector_load %arg10[%swap3A_147, %swap3A_148] {strides = array<i32>} : memref<4x128xi32, #tpu.memory_space<vmem>>, vector<1x16xi32>,
    %swap3A_150 = vector.shape_cast %swap3A_149 : vector<1x16xi32> to vector<16xi32>
    %swap3A_151 = vector.shape_cast %and3A_145 : vector<16xi32> to vector<1x16xi32>
    tpu.vector_store %arg10[%swap3A_147, %swap3A_148], %swap3A_151 {strides = array<i32>} : memref<4x128xi32, #tpu.memory_space<vmem>>, vector<1x16xi32>,
    %get3A_152 = arith.constant 0 : i32
    %get3A_153 = arith.index_cast %get3A_152 : i32 to index
    %get3A_154 = arith.constant 80 : index
    %get3A_155 = tpu.vector_load %arg9[%get3A_153, %get3A_154] {strides = array<i32>} : memref<4x128xi32, #tpu.memory_space<vmem>>, vector<1x16xi32>,
    %get3A_156 = vector.shape_cast %get3A_155 : vector<1x16xi32> to vector<16xi32>
    %and3A_157 = arith.constant 131071 : i32
    %and3A_158 = vector.broadcast %and3A_157 : i32 to vector<16xi32>
    %and3A_159 = arith.andi %get3A_156, %and3A_158 : vector<16xi32>
    %swap3A_160 = arith.constant 0 : i32
    %swap3A_161 = arith.index_cast %swap3A_160 : i32 to index
    %swap3A_162 = arith.constant 80 : index
    %swap3A_163 = tpu.vector_load %arg11[%swap3A_161, %swap3A_162] {strides = array<i32>} : memref<4x128xi32, #tpu.memory_space<vmem>>, vector<1x16xi32>,
    %swap3A_164 = vector.shape_cast %swap3A_163 : vector<1x16xi32> to vector<16xi32>
    %swap3A_165 = vector.shape_cast %and3A_159 : vector<16xi32> to vector<1x16xi32>
    tpu.vector_store %arg11[%swap3A_161, %swap3A_162], %swap3A_165 {strides = array<i32>} : memref<4x128xi32, #tpu.memory_space<vmem>>, vector<1x16xi32>,
    %get3A_166 = arith.constant 0 : i32
    %get3A_167 = arith.index_cast %get3A_166 : i32 to index
    %get3A_168 = arith.constant 96 : index
    %get3A_169 = tpu.vector_load %arg8[%get3A_167, %get3A_168] {strides = array<i32>} : memref<4x128xi32, #tpu.memory_space<vmem>>, vector<1x16xi32>,
    %get3A_170 = vector.shape_cast %get3A_169 : vector<1x16xi32> to vector<16xi32>
    %and3A_171 = arith.constant 131071 : i32
    %and3A_172 = vector.broadcast %and3A_171 : i32 to vector<16xi32>
    %and3A_173 = arith.andi %get3A_170, %and3A_172 : vector<16xi32>
    %swap3A_174 = arith.constant 0 : i32
    %swap3A_175 = arith.index_cast %swap3A_174 : i32 to index
    %swap3A_176 = arith.constant 96 : index
    %swap3A_177 = tpu.vector_load %arg10[%swap3A_175, %swap3A_176] {strides = array<i32>} : memref<4x128xi32, #tpu.memory_space<vmem>>, vector<1x16xi32>,
    %swap3A_178 = vector.shape_cast %swap3A_177 : vector<1x16xi32> to vector<16xi32>
    %swap3A_179 = vector.shape_cast %and3A_173 : vector<16xi32> to vector<1x16xi32>
    tpu.vector_store %arg10[%swap3A_175, %swap3A_176], %swap3A_179 {strides = array<i32>} : memref<4x128xi32, #tpu.memory_space<vmem>>, vector<1x16xi32>,
    %get3A_180 = arith.constant 0 : i32
    %get3A_181 = arith.index_cast %get3A_180 : i32 to index
    %get3A_182 = arith.constant 96 : index
    %get3A_183 = tpu.vector_load %arg9[%get3A_181, %get3A_182] {strides = array<i32>} : memref<4x128xi32, #tpu.memory_space<vmem>>, vector<1x16xi32>,
    %get3A_184 = vector.shape_cast %get3A_183 : vector<1x16xi32> to vector<16xi32>
    %and3A_185 = arith.constant 131071 : i32
    %and3A_186 = vector.broadcast %and3A_185 : i32 to vector<16xi32>
    %and3A_187 = arith.andi %get3A_184, %and3A_186 : vector<16xi32>
    %swap3A_188 = arith.constant 0 : i32
    %swap3A_189 = arith.index_cast %swap3A_188 : i32 to index
    %swap3A_190 = arith.constant 96 : index
    %swap3A_191 = tpu.vector_load %arg11[%swap3A_189, %swap3A_190] {strides = array<i32>} : memref<4x128xi32, #tpu.memory_space<vmem>>, vector<1x16xi32>,
    %swap3A_192 = vector.shape_cast %swap3A_191 : vector<1x16xi32> to vector<16xi32>
    %swap3A_193 = vector.shape_cast %and3A_187 : vector<16xi32> to vector<1x16xi32>
    tpu.vector_store %arg11[%swap3A_189, %swap3A_190], %swap3A_193 {strides = array<i32>} : memref<4x128xi32, #tpu.memory_space<vmem>>, vector<1x16xi32>,
    %get3A_194 = arith.constant 0 : i32
    %get3A_195 = arith.index_cast %get3A_194 : i32 to index
    %get3A_196 = arith.constant 112 : index
    %get3A_197 = tpu.vector_load %arg8[%get3A_195, %get3A_196] {strides = array<i32>} : memref<4x128xi32, #tpu.memory_space<vmem>>, vector<1x16xi32>,
    %get3A_198 = vector.shape_cast %get3A_197 : vector<1x16xi32> to vector<16xi32>
    %and3A_199 = arith.constant 131071 : i32
    %and3A_200 = vector.broadcast %and3A_199 : i32 to vector<16xi32>
    %and3A_201 = arith.andi %get3A_198, %and3A_200 : vector<16xi32>
    %swap3A_202 = arith.constant 0 : i32
    %swap3A_203 = arith.index_cast %swap3A_202 : i32 to index
    %swap3A_204 = arith.constant 112 : index
    %swap3A_205 = tpu.vector_load %arg10[%swap3A_203, %swap3A_204] {strides = array<i32>} : memref<4x128xi32, #tpu.memory_space<vmem>>, vector<1x16xi32>,
    %swap3A_206 = vector.shape_cast %swap3A_205 : vector<1x16xi32> to vector<16xi32>
    %swap3A_207 = vector.shape_cast %and3A_201 : vector<16xi32> to vector<1x16xi32>
    tpu.vector_store %arg10[%swap3A_203, %swap3A_204], %swap3A_207 {strides = array<i32>} : memref<4x128xi32, #tpu.memory_space<vmem>>, vector<1x16xi32>,
    %get3A_208 = arith.constant 0 : i32
    %get3A_209 = arith.index_cast %get3A_208 : i32 to index
    %get3A_210 = arith.constant 112 : index
    %get3A_211 = tpu.vector_load %arg9[%get3A_209, %get3A_210] {strides = array<i32>} : memref<4x128xi32, #tpu.memory_space<vmem>>, vector<1x16xi32>,
    %get3A_212 = vector.shape_cast %get3A_211 : vector<1x16xi32> to vector<16xi32>
    %and3A_213 = arith.constant 131071 : i32
    %and3A_214 = vector.broadcast %and3A_213 : i32 to vector<16xi32>
    %and3A_215 = arith.andi %get3A_212, %and3A_214 : vector<16xi32>
    %swap3A_216 = arith.constant 0 : i32
    %swap3A_217 = arith.index_cast %swap3A_216 : i32 to index
    %swap3A_218 = arith.constant 112 : index
    %swap3A_219 = tpu.vector_load %arg11[%swap3A_217, %swap3A_218] {strides = array<i32>} : memref<4x128xi32, #tpu.memory_space<vmem>>, vector<1x16xi32>,
    %swap3A_220 = vector.shape_cast %swap3A_219 : vector<1x16xi32> to vector<16xi32>
    %swap3A_221 = vector.shape_cast %and3A_215 : vector<16xi32> to vector<1x16xi32>
    tpu.vector_store %arg11[%swap3A_217, %swap3A_218], %swap3A_221 {strides = array<i32>} : memref<4x128xi32, #tpu.memory_space<vmem>>, vector<1x16xi32>,
    %get3A_222 = arith.constant 1 : i32
    %get3A_223 = arith.index_cast %get3A_222 : i32 to index
    %get3A_224 = arith.constant 0 : index
    %get3A_225 = tpu.vector_load %arg8[%get3A_223, %get3A_224] {strides = array<i32>} : memref<4x128xi32, #tpu.memory_space<vmem>>, vector<1x16xi32>,
    %get3A_226 = vector.shape_cast %get3A_225 : vector<1x16xi32> to vector<16xi32>
    %and3A_227 = arith.constant 131071 : i32
    %and3A_228 = vector.broadcast %and3A_227 : i32 to vector<16xi32>
    %and3A_229 = arith.andi %get3A_226, %and3A_228 : vector<16xi32>
    %swap3A_230 = arith.constant 1 : i32
    %swap3A_231 = arith.index_cast %swap3A_230 : i32 to index
    %swap3A_232 = arith.constant 0 : index
    %swap3A_233 = tpu.vector_load %arg10[%swap3A_231, %swap3A_232] {strides = array<i32>} : memref<4x128xi32, #tpu.memory_space<vmem>>, vector<1x16xi32>,
    %swap3A_234 = vector.shape_cast %swap3A_233 : vector<1x16xi32> to vector<16xi32>
    %swap3A_235 = vector.shape_cast %and3A_229 : vector<16xi32> to vector<1x16xi32>
    tpu.vector_store %arg10[%swap3A_231, %swap3A_232], %swap3A_235 {strides = array<i32>} : memref<4x128xi32, #tpu.memory_space<vmem>>, vector<1x16xi32>,
    %get3A_236 = arith.constant 1 : i32
    %get3A_237 = arith.index_cast %get3A_236 : i32 to index
    %get3A_238 = arith.constant 0 : index
    %get3A_239 = tpu.vector_load %arg9[%get3A_237, %get3A_238] {strides = array<i32>} : memref<4x128xi32, #tpu.memory_space<vmem>>, vector<1x16xi32>,
    %get3A_240 = vector.shape_cast %get3A_239 : vector<1x16xi32> to vector<16xi32>
    %and3A_241 = arith.constant 131071 : i32
    %and3A_242 = vector.broadcast %and3A_241 : i32 to vector<16xi32>
    %and3A_243 = arith.andi %get3A_240, %and3A_242 : vector<16xi32>
    %swap3A_244 = arith.constant 1 : i32
    %swap3A_245 = arith.index_cast %swap3A_244 : i32 to index
    %swap3A_246 = arith.constant 0 : index
    %swap3A_247 = tpu.vector_load %arg11[%swap3A_245, %swap3A_246] {strides = array<i32>} : memref<4x128xi32, #tpu.memory_space<vmem>>, vector<1x16xi32>,
    %swap3A_248 = vector.shape_cast %swap3A_247 : vector<1x16xi32> to vector<16xi32>
    %swap3A_249 = vector.shape_cast %and3A_243 : vector<16xi32> to vector<1x16xi32>
    tpu.vector_store %arg11[%swap3A_245, %swap3A_246], %swap3A_249 {strides = array<i32>} : memref<4x128xi32, #tpu.memory_space<vmem>>, vector<1x16xi32>,
    %get3A_250 = arith.constant 1 : i32
    %get3A_251 = arith.index_cast %get3A_250 : i32 to index
    %get3A_252 = arith.constant 16 : index
    %get3A_253 = tpu.vector_load %arg8[%get3A_251, %get3A_252] {strides = array<i32>} : memref<4x128xi32, #tpu.memory_space<vmem>>, vector<1x16xi32>,
    %get3A_254 = vector.shape_cast %get3A_253 : vector<1x16xi32> to vector<16xi32>
    %and3A_255 = arith.constant 131071 : i32
    %and3A_256 = vector.broadcast %and3A_255 : i32 to vector<16xi32>
    %and3A_257 = arith.andi %get3A_254, %and3A_256 : vector<16xi32>
    %swap3A_258 = arith.constant 1 : i32
    %swap3A_259 = arith.index_cast %swap3A_258 : i32 to index
    %swap3A_260 = arith.constant 16 : index
    %swap3A_261 = tpu.vector_load %arg10[%swap3A_259, %swap3A_260] {strides = array<i32>} : memref<4x128xi32, #tpu.memory_space<vmem>>, vector<1x16xi32>,
    %swap3A_262 = vector.shape_cast %swap3A_261 : vector<1x16xi32> to vector<16xi32>
    %swap3A_263 = vector.shape_cast %and3A_257 : vector<16xi32> to vector<1x16xi32>
    tpu.vector_store %arg10[%swap3A_259, %swap3A_260], %swap3A_263 {strides = array<i32>} : memref<4x128xi32, #tpu.memory_space<vmem>>, vector<1x16xi32>,
    %get3A_264 = arith.constant 1 : i32
    %get3A_265 = arith.index_cast %get3A_264 : i32 to index
    %get3A_266 = arith.constant 16 : index
    %get3A_267 = tpu.vector_load %arg9[%get3A_265, %get3A_266] {strides = array<i32>} : memref<4x128xi32, #tpu.memory_space<vmem>>, vector<1x16xi32>,
    %get3A_268 = vector.shape_cast %get3A_267 : vector<1x16xi32> to vector<16xi32>
    %and3A_269 = arith.constant 131071 : i32
    %and3A_270 = vector.broadcast %and3A_269 : i32 to vector<16xi32>
    %and3A_271 = arith.andi %get3A_268, %and3A_270 : vector<16xi32>
    %swap3A_272 = arith.constant 1 : i32
    %swap3A_273 = arith.index_cast %swap3A_272 : i32 to index
    %swap3A_274 = arith.constant 16 : index
    %swap3A_275 = tpu.vector_load %arg11[%swap3A_273, %swap3A_274] {strides = array<i32>} : memref<4x128xi32, #tpu.memory_space<vmem>>, vector<1x16xi32>,
    %swap3A_276 = vector.shape_cast %swap3A_275 : vector<1x16xi32> to vector<16xi32>
    %swap3A_277 = vector.shape_cast %and3A_271 : vector<16xi32> to vector<1x16xi32>
    tpu.vector_store %arg11[%swap3A_273, %swap3A_274], %swap3A_277 {strides = array<i32>} : memref<4x128xi32, #tpu.memory_space<vmem>>, vector<1x16xi32>,
    %get3A_278 = arith.constant 1 : i32
    %get3A_279 = arith.index_cast %get3A_278 : i32 to index
    %get3A_280 = arith.constant 32 : index
    %get3A_281 = tpu.vector_load %arg8[%get3A_279, %get3A_280] {strides = array<i32>} : memref<4x128xi32, #tpu.memory_space<vmem>>, vector<1x16xi32>,
    %get3A_282 = vector.shape_cast %get3A_281 : vector<1x16xi32> to vector<16xi32>
    %and3A_283 = arith.constant 131071 : i32
    %and3A_284 = vector.broadcast %and3A_283 : i32 to vector<16xi32>
    %and3A_285 = arith.andi %get3A_282, %and3A_284 : vector<16xi32>
    %swap3A_286 = arith.constant 1 : i32
    %swap3A_287 = arith.index_cast %swap3A_286 : i32 to index
    %swap3A_288 = arith.constant 32 : index
    %swap3A_289 = tpu.vector_load %arg10[%swap3A_287, %swap3A_288] {strides = array<i32>} : memref<4x128xi32, #tpu.memory_space<vmem>>, vector<1x16xi32>,
    %swap3A_290 = vector.shape_cast %swap3A_289 : vector<1x16xi32> to vector<16xi32>
    %swap3A_291 = vector.shape_cast %and3A_285 : vector<16xi32> to vector<1x16xi32>
    tpu.vector_store %arg10[%swap3A_287, %swap3A_288], %swap3A_291 {strides = array<i32>} : memref<4x128xi32, #tpu.memory_space<vmem>>, vector<1x16xi32>,
    %get3A_292 = arith.constant 1 : i32
    %get3A_293 = arith.index_cast %get3A_292 : i32 to index
    %get3A_294 = arith.constant 32 : index
    %get3A_295 = tpu.vector_load %arg9[%get3A_293, %get3A_294] {strides = array<i32>} : memref<4x128xi32, #tpu.memory_space<vmem>>, vector<1x16xi32>,
    %get3A_296 = vector.shape_cast %get3A_295 : vector<1x16xi32> to vector<16xi32>
    %and3A_297 = arith.constant 131071 : i32
    %and3A_298 = vector.broadcast %and3A_297 : i32 to vector<16xi32>
    %and3A_299 = arith.andi %get3A_296, %and3A_298 : vector<16xi32>
    %swap3A_300 = arith.constant 1 : i32
    %swap3A_301 = arith.index_cast %swap3A_300 : i32 to index
    %swap3A_302 = arith.constant 32 : index
    %swap3A_303 = tpu.vector_load %arg11[%swap3A_301, %swap3A_302] {strides = array<i32>} : memref<4x128xi32, #tpu.memory_space<vmem>>, vector<1x16xi32>,
    %swap3A_304 = vector.shape_cast %swap3A_303 : vector<1x16xi32> to vector<16xi32>
    %swap3A_305 = vector.shape_cast %and3A_299 : vector<16xi32> to vector<1x16xi32>
    tpu.vector_store %arg11[%swap3A_301, %swap3A_302], %swap3A_305 {strides = array<i32>} : memref<4x128xi32, #tpu.memory_space<vmem>>, vector<1x16xi32>,
    %get3A_306 = arith.constant 1 : i32
    %get3A_307 = arith.index_cast %get3A_306 : i32 to index
    %get3A_308 = arith.constant 48 : index
    %get3A_309 = tpu.vector_load %arg8[%get3A_307, %get3A_308] {strides = array<i32>} : memref<4x128xi32, #tpu.memory_space<vmem>>, vector<1x16xi32>,
    %get3A_310 = vector.shape_cast %get3A_309 : vector<1x16xi32> to vector<16xi32>
    %and3A_311 = arith.constant 131071 : i32
    %and3A_312 = vector.broadcast %and3A_311 : i32 to vector<16xi32>
    %and3A_313 = arith.andi %get3A_310, %and3A_312 : vector<16xi32>
    %swap3A_314 = arith.constant 1 : i32
    %swap3A_315 = arith.index_cast %swap3A_314 : i32 to index
    %swap3A_316 = arith.constant 48 : index
    %swap3A_317 = tpu.vector_load %arg10[%swap3A_315, %swap3A_316] {strides = array<i32>} : memref<4x128xi32, #tpu.memory_space<vmem>>, vector<1x16xi32>,
    %swap3A_318 = vector.shape_cast %swap3A_317 : vector<1x16xi32> to vector<16xi32>
    %swap3A_319 = vector.shape_cast %and3A_313 : vector<16xi32> to vector<1x16xi32>
    tpu.vector_store %arg10[%swap3A_315, %swap3A_316], %swap3A_319 {strides = array<i32>} : memref<4x128xi32, #tpu.memory_space<vmem>>, vector<1x16xi32>,
    %get3A_320 = arith.constant 1 : i32
    %get3A_321 = arith.index_cast %get3A_320 : i32 to index
    %get3A_322 = arith.constant 48 : index
    %get3A_323 = tpu.vector_load %arg9[%get3A_321, %get3A_322] {strides = array<i32>} : memref<4x128xi32, #tpu.memory_space<vmem>>, vector<1x16xi32>,
    %get3A_324 = vector.shape_cast %get3A_323 : vector<1x16xi32> to vector<16xi32>
    %and3A_325 = arith.constant 131071 : i32
    %and3A_326 = vector.broadcast %and3A_325 : i32 to vector<16xi32>
    %and3A_327 = arith.andi %get3A_324, %and3A_326 : vector<16xi32>
    %swap3A_328 = arith.constant 1 : i32
    %swap3A_329 = arith.index_cast %swap3A_328 : i32 to index
    %swap3A_330 = arith.constant 48 : index
    %swap3A_331 = tpu.vector_load %arg11[%swap3A_329, %swap3A_330] {strides = array<i32>} : memref<4x128xi32, #tpu.memory_space<vmem>>, vector<1x16xi32>,
    %swap3A_332 = vector.shape_cast %swap3A_331 : vector<1x16xi32> to vector<16xi32>
    %swap3A_333 = vector.shape_cast %and3A_327 : vector<16xi32> to vector<1x16xi32>
    tpu.vector_store %arg11[%swap3A_329, %swap3A_330], %swap3A_333 {strides = array<i32>} : memref<4x128xi32, #tpu.memory_space<vmem>>, vector<1x16xi32>,
    %get3A_334 = arith.constant 1 : i32
    %get3A_335 = arith.index_cast %get3A_334 : i32 to index
    %get3A_336 = arith.constant 64 : index
    %get3A_337 = tpu.vector_load %arg8[%get3A_335, %get3A_336] {strides = array<i32>} : memref<4x128xi32, #tpu.memory_space<vmem>>, vector<1x16xi32>,
    %get3A_338 = vector.shape_cast %get3A_337 : vector<1x16xi32> to vector<16xi32>
    %and3A_339 = arith.constant 131071 : i32
    %and3A_340 = vector.broadcast %and3A_339 : i32 to vector<16xi32>
    %and3A_341 = arith.andi %get3A_338, %and3A_340 : vector<16xi32>
    %swap3A_342 = arith.constant 1 : i32
    %swap3A_343 = arith.index_cast %swap3A_342 : i32 to index
    %swap3A_344 = arith.constant 64 : index
    %swap3A_345 = tpu.vector_load %arg10[%swap3A_343, %swap3A_344] {strides = array<i32>} : memref<4x128xi32, #tpu.memory_space<vmem>>, vector<1x16xi32>,
    %swap3A_346 = vector.shape_cast %swap3A_345 : vector<1x16xi32> to vector<16xi32>
    %swap3A_347 = vector.shape_cast %and3A_341 : vector<16xi32> to vector<1x16xi32>
    tpu.vector_store %arg10[%swap3A_343, %swap3A_344], %swap3A_347 {strides = array<i32>} : memref<4x128xi32, #tpu.memory_space<vmem>>, vector<1x16xi32>,
    %get3A_348 = arith.constant 1 : i32
    %get3A_349 = arith.index_cast %get3A_348 : i32 to index
    %get3A_350 = arith.constant 64 : index
    %get3A_351 = tpu.vector_load %arg9[%get3A_349, %get3A_350] {strides = array<i32>} : memref<4x128xi32, #tpu.memory_space<vmem>>, vector<1x16xi32>,
    %get3A_352 = vector.shape_cast %get3A_351 : vector<1x16xi32> to vector<16xi32>
    %and3A_353 = arith.constant 131071 : i32
    %and3A_354 = vector.broadcast %and3A_353 : i32 to vector<16xi32>
    %and3A_355 = arith.andi %get3A_352, %and3A_354 : vector<16xi32>
    %swap3A_356 = arith.constant 1 : i32
    %swap3A_357 = arith.index_cast %swap3A_356 : i32 to index
    %swap3A_358 = arith.constant 64 : index
    %swap3A_359 = tpu.vector_load %arg11[%swap3A_357, %swap3A_358] {strides = array<i32>} : memref<4x128xi32, #tpu.memory_space<vmem>>, vector<1x16xi32>,
    %swap3A_360 = vector.shape_cast %swap3A_359 : vector<1x16xi32> to vector<16xi32>
    %swap3A_361 = vector.shape_cast %and3A_355 : vector<16xi32> to vector<1x16xi32>
    tpu.vector_store %arg11[%swap3A_357, %swap3A_358], %swap3A_361 {strides = array<i32>} : memref<4x128xi32, #tpu.memory_space<vmem>>, vector<1x16xi32>,
    %get3A_362 = arith.constant 1 : i32
    %get3A_363 = arith.index_cast %get3A_362 : i32 to index
    %get3A_364 = arith.constant 80 : index
    %get3A_365 = tpu.vector_load %arg8[%get3A_363, %get3A_364] {strides = array<i32>} : memref<4x128xi32, #tpu.memory_space<vmem>>, vector<1x16xi32>,
    %get3A_366 = vector.shape_cast %get3A_365 : vector<1x16xi32> to vector<16xi32>
    %and3A_367 = arith.constant 131071 : i32
    %and3A_368 = vector.broadcast %and3A_367 : i32 to vector<16xi32>
    %and3A_369 = arith.andi %get3A_366, %and3A_368 : vector<16xi32>
    %swap3A_370 = arith.constant 1 : i32
    %swap3A_371 = arith.index_cast %swap3A_370 : i32 to index
    %swap3A_372 = arith.constant 80 : index
    %swap3A_373 = tpu.vector_load %arg10[%swap3A_371, %swap3A_372] {strides = array<i32>} : memref<4x128xi32, #tpu.memory_space<vmem>>, vector<1x16xi32>,
    %swap3A_374 = vector.shape_cast %swap3A_373 : vector<1x16xi32> to vector<16xi32>
    %swap3A_375 = vector.shape_cast %and3A_369 : vector<16xi32> to vector<1x16xi32>
    tpu.vector_store %arg10[%swap3A_371, %swap3A_372], %swap3A_375 {strides = array<i32>} : memref<4x128xi32, #tpu.memory_space<vmem>>, vector<1x16xi32>,
    %get3A_376 = arith.constant 1 : i32
    %get3A_377 = arith.index_cast %get3A_376 : i32 to index
    %get3A_378 = arith.constant 80 : index
    %get3A_379 = tpu.vector_load %arg9[%get3A_377, %get3A_378] {strides = array<i32>} : memref<4x128xi32, #tpu.memory_space<vmem>>, vector<1x16xi32>,
    %get3A_380 = vector.shape_cast %get3A_379 : vector<1x16xi32> to vector<16xi32>
    %and3A_381 = arith.constant 131071 : i32
    %and3A_382 = vector.broadcast %and3A_381 : i32 to vector<16xi32>
    %and3A_383 = arith.andi %get3A_380, %and3A_382 : vector<16xi32>
    %swap3A_384 = arith.constant 1 : i32
    %swap3A_385 = arith.index_cast %swap3A_384 : i32 to index
    %swap3A_386 = arith.constant 80 : index
    %swap3A_387 = tpu.vector_load %arg11[%swap3A_385, %swap3A_386] {strides = array<i32>} : memref<4x128xi32, #tpu.memory_space<vmem>>, vector<1x16xi32>,
    %swap3A_388 = vector.shape_cast %swap3A_387 : vector<1x16xi32> to vector<16xi32>
    %swap3A_389 = vector.shape_cast %and3A_383 : vector<16xi32> to vector<1x16xi32>
    tpu.vector_store %arg11[%swap3A_385, %swap3A_386], %swap3A_389 {strides = array<i32>} : memref<4x128xi32, #tpu.memory_space<vmem>>, vector<1x16xi32>,
    %get3A_390 = arith.constant 1 : i32
    %get3A_391 = arith.index_cast %get3A_390 : i32 to index
    %get3A_392 = arith.constant 96 : index
    %get3A_393 = tpu.vector_load %arg8[%get3A_391, %get3A_392] {strides = array<i32>} : memref<4x128xi32, #tpu.memory_space<vmem>>, vector<1x16xi32>,
    %get3A_394 = vector.shape_cast %get3A_393 : vector<1x16xi32> to vector<16xi32>
    %and3A_395 = arith.constant 131071 : i32
    %and3A_396 = vector.broadcast %and3A_395 : i32 to vector<16xi32>
    %and3A_397 = arith.andi %get3A_394, %and3A_396 : vector<16xi32>
    %swap3A_398 = arith.constant 1 : i32
    %swap3A_399 = arith.index_cast %swap3A_398 : i32 to index
    %swap3A_400 = arith.constant 96 : index
    %swap3A_401 = tpu.vector_load %arg10[%swap3A_399, %swap3A_400] {strides = array<i32>} : memref<4x128xi32, #tpu.memory_space<vmem>>, vector<1x16xi32>,
    %swap3A_402 = vector.shape_cast %swap3A_401 : vector<1x16xi32> to vector<16xi32>
    %swap3A_403 = vector.shape_cast %and3A_397 : vector<16xi32> to vector<1x16xi32>
    tpu.vector_store %arg10[%swap3A_399, %swap3A_400], %swap3A_403 {strides = array<i32>} : memref<4x128xi32, #tpu.memory_space<vmem>>, vector<1x16xi32>,
    %get3A_404 = arith.constant 1 : i32
    %get3A_405 = arith.index_cast %get3A_404 : i32 to index
    %get3A_406 = arith.constant 96 : index
    %get3A_407 = tpu.vector_load %arg9[%get3A_405, %get3A_406] {strides = array<i32>} : memref<4x128xi32, #tpu.memory_space<vmem>>, vector<1x16xi32>,
    %get3A_408 = vector.shape_cast %get3A_407 : vector<1x16xi32> to vector<16xi32>
    %and3A_409 = arith.constant 131071 : i32
    %and3A_410 = vector.broadcast %and3A_409 : i32 to vector<16xi32>
    %and3A_411 = arith.andi %get3A_408, %and3A_410 : vector<16xi32>
    %swap3A_412 = arith.constant 1 : i32
    %swap3A_413 = arith.index_cast %swap3A_412 : i32 to index
    %swap3A_414 = arith.constant 96 : index
    %swap3A_415 = tpu.vector_load %arg11[%swap3A_413, %swap3A_414] {strides = array<i32>} : memref<4x128xi32, #tpu.memory_space<vmem>>, vector<1x16xi32>,
    %swap3A_416 = vector.shape_cast %swap3A_415 : vector<1x16xi32> to vector<16xi32>
    %swap3A_417 = vector.shape_cast %and3A_411 : vector<16xi32> to vector<1x16xi32>
    tpu.vector_store %arg11[%swap3A_413, %swap3A_414], %swap3A_417 {strides = array<i32>} : memref<4x128xi32, #tpu.memory_space<vmem>>, vector<1x16xi32>,
    %get3A_418 = arith.constant 1 : i32
    %get3A_419 = arith.index_cast %get3A_418 : i32 to index
    %get3A_420 = arith.constant 112 : index
    %get3A_421 = tpu.vector_load %arg8[%get3A_419, %get3A_420] {strides = array<i32>} : memref<4x128xi32, #tpu.memory_space<vmem>>, vector<1x16xi32>,
    %get3A_422 = vector.shape_cast %get3A_421 : vector<1x16xi32> to vector<16xi32>
    %and3A_423 = arith.constant 131071 : i32
    %and3A_424 = vector.broadcast %and3A_423 : i32 to vector<16xi32>
    %and3A_425 = arith.andi %get3A_422, %and3A_424 : vector<16xi32>
    %swap3A_426 = arith.constant 1 : i32
    %swap3A_427 = arith.index_cast %swap3A_426 : i32 to index
    %swap3A_428 = arith.constant 112 : index
    %swap3A_429 = tpu.vector_load %arg10[%swap3A_427, %swap3A_428] {strides = array<i32>} : memref<4x128xi32, #tpu.memory_space<vmem>>, vector<1x16xi32>,
    %swap3A_430 = vector.shape_cast %swap3A_429 : vector<1x16xi32> to vector<16xi32>
    %swap3A_431 = vector.shape_cast %and3A_425 : vector<16xi32> to vector<1x16xi32>
    tpu.vector_store %arg10[%swap3A_427, %swap3A_428], %swap3A_431 {strides = array<i32>} : memref<4x128xi32, #tpu.memory_space<vmem>>, vector<1x16xi32>,
    %get3A_432 = arith.constant 1 : i32
    %get3A_433 = arith.index_cast %get3A_432 : i32 to index
    %get3A_434 = arith.constant 112 : index
    %get3A_435 = tpu.vector_load %arg9[%get3A_433, %get3A_434] {strides = array<i32>} : memref<4x128xi32, #tpu.memory_space<vmem>>, vector<1x16xi32>,
    %get3A_436 = vector.shape_cast %get3A_435 : vector<1x16xi32> to vector<16xi32>
    %and3A_437 = arith.constant 131071 : i32
    %and3A_438 = vector.broadcast %and3A_437 : i32 to vector<16xi32>
    %and3A_439 = arith.andi %get3A_436, %and3A_438 : vector<16xi32>
    %swap3A_440 = arith.constant 1 : i32
    %swap3A_441 = arith.index_cast %swap3A_440 : i32 to index
    %swap3A_442 = arith.constant 112 : index
    %swap3A_443 = tpu.vector_load %arg11[%swap3A_441, %swap3A_442] {strides = array<i32>} : memref<4x128xi32, #tpu.memory_space<vmem>>, vector<1x16xi32>,
    %swap3A_444 = vector.shape_cast %swap3A_443 : vector<1x16xi32> to vector<16xi32>
    %swap3A_445 = vector.shape_cast %and3A_439 : vector<16xi32> to vector<1x16xi32>
    tpu.vector_store %arg11[%swap3A_441, %swap3A_442], %swap3A_445 {strides = array<i32>} : memref<4x128xi32, #tpu.memory_space<vmem>>, vector<1x16xi32>,
    %get3A_446 = arith.constant 2 : i32
    %get3A_447 = arith.index_cast %get3A_446 : i32 to index
    %get3A_448 = arith.constant 0 : index
    %get3A_449 = tpu.vector_load %arg8[%get3A_447, %get3A_448] {strides = array<i32>} : memref<4x128xi32, #tpu.memory_space<vmem>>, vector<1x16xi32>,
    %get3A_450 = vector.shape_cast %get3A_449 : vector<1x16xi32> to vector<16xi32>
    %and3A_451 = arith.constant 131071 : i32
    %and3A_452 = vector.broadcast %and3A_451 : i32 to vector<16xi32>
    %and3A_453 = arith.andi %get3A_450, %and3A_452 : vector<16xi32>
    %swap3A_454 = arith.constant 2 : i32
    %swap3A_455 = arith.index_cast %swap3A_454 : i32 to index
    %swap3A_456 = arith.constant 0 : index
    %swap3A_457 = tpu.vector_load %arg10[%swap3A_455, %swap3A_456] {strides = array<i32>} : memref<4x128xi32, #tpu.memory_space<vmem>>, vector<1x16xi32>,
    %swap3A_458 = vector.shape_cast %swap3A_457 : vector<1x16xi32> to vector<16xi32>
    %swap3A_459 = vector.shape_cast %and3A_453 : vector<16xi32> to vector<1x16xi32>
    tpu.vector_store %arg10[%swap3A_455, %swap3A_456], %swap3A_459 {strides = array<i32>} : memref<4x128xi32, #tpu.memory_space<vmem>>, vector<1x16xi32>,
    %get3A_460 = arith.constant 2 : i32
    %get3A_461 = arith.index_cast %get3A_460 : i32 to index
    %get3A_462 = arith.constant 0 : index
    %get3A_463 = tpu.vector_load %arg9[%get3A_461, %get3A_462] {strides = array<i32>} : memref<4x128xi32, #tpu.memory_space<vmem>>, vector<1x16xi32>,
    %get3A_464 = vector.shape_cast %get3A_463 : vector<1x16xi32> to vector<16xi32>
    %and3A_465 = arith.constant 131071 : i32
    %and3A_466 = vector.broadcast %and3A_465 : i32 to vector<16xi32>
    %and3A_467 = arith.andi %get3A_464, %and3A_466 : vector<16xi32>
    %swap3A_468 = arith.constant 2 : i32
    %swap3A_469 = arith.index_cast %swap3A_468 : i32 to index
    %swap3A_470 = arith.constant 0 : index
    %swap3A_471 = tpu.vector_load %arg11[%swap3A_469, %swap3A_470] {strides = array<i32>} : memref<4x128xi32, #tpu.memory_space<vmem>>, vector<1x16xi32>,
    %swap3A_472 = vector.shape_cast %swap3A_471 : vector<1x16xi32> to vector<16xi32>
    %swap3A_473 = vector.shape_cast %and3A_467 : vector<16xi32> to vector<1x16xi32>
    tpu.vector_store %arg11[%swap3A_469, %swap3A_470], %swap3A_473 {strides = array<i32>} : memref<4x128xi32, #tpu.memory_space<vmem>>, vector<1x16xi32>,
    %get3A_474 = arith.constant 2 : i32
    %get3A_475 = arith.index_cast %get3A_474 : i32 to index
    %get3A_476 = arith.constant 16 : index
    %get3A_477 = tpu.vector_load %arg8[%get3A_475, %get3A_476] {strides = array<i32>} : memref<4x128xi32, #tpu.memory_space<vmem>>, vector<1x16xi32>,
    %get3A_478 = vector.shape_cast %get3A_477 : vector<1x16xi32> to vector<16xi32>
    %and3A_479 = arith.constant 131071 : i32
    %and3A_480 = vector.broadcast %and3A_479 : i32 to vector<16xi32>
    %and3A_481 = arith.andi %get3A_478, %and3A_480 : vector<16xi32>
    %swap3A_482 = arith.constant 2 : i32
    %swap3A_483 = arith.index_cast %swap3A_482 : i32 to index
    %swap3A_484 = arith.constant 16 : index
    %swap3A_485 = tpu.vector_load %arg10[%swap3A_483, %swap3A_484] {strides = array<i32>} : memref<4x128xi32, #tpu.memory_space<vmem>>, vector<1x16xi32>,
    %swap3A_486 = vector.shape_cast %swap3A_485 : vector<1x16xi32> to vector<16xi32>
    %swap3A_487 = vector.shape_cast %and3A_481 : vector<16xi32> to vector<1x16xi32>
    tpu.vector_store %arg10[%swap3A_483, %swap3A_484], %swap3A_487 {strides = array<i32>} : memref<4x128xi32, #tpu.memory_space<vmem>>, vector<1x16xi32>,
    %get3A_488 = arith.constant 2 : i32
    %get3A_489 = arith.index_cast %get3A_488 : i32 to index
    %get3A_490 = arith.constant 16 : index
    %get3A_491 = tpu.vector_load %arg9[%get3A_489, %get3A_490] {strides = array<i32>} : memref<4x128xi32, #tpu.memory_space<vmem>>, vector<1x16xi32>,
    %get3A_492 = vector.shape_cast %get3A_491 : vector<1x16xi32> to vector<16xi32>
    %and3A_493 = arith.constant 131071 : i32
    %and3A_494 = vector.broadcast %and3A_493 : i32 to vector<16xi32>
    %and3A_495 = arith.andi %get3A_492, %and3A_494 : vector<16xi32>
    %swap3A_496 = arith.constant 2 : i32
    %swap3A_497 = arith.index_cast %swap3A_496 : i32 to index
    %swap3A_498 = arith.constant 16 : index
    %swap3A_499 = tpu.vector_load %arg11[%swap3A_497, %swap3A_498] {strides = array<i32>} : memref<4x128xi32, #tpu.memory_space<vmem>>, vector<1x16xi32>,
    %swap3A_500 = vector.shape_cast %swap3A_499 : vector<1x16xi32> to vector<16xi32>
    %swap3A_501 = vector.shape_cast %and3A_495 : vector<16xi32> to vector<1x16xi32>
    tpu.vector_store %arg11[%swap3A_497, %swap3A_498], %swap3A_501 {strides = array<i32>} : memref<4x128xi32, #tpu.memory_space<vmem>>, vector<1x16xi32>,
    %get3A_502 = arith.constant 2 : i32
    %get3A_503 = arith.index_cast %get3A_502 : i32 to index
    %get3A_504 = arith.constant 32 : index
    %get3A_505 = tpu.vector_load %arg8[%get3A_503, %get3A_504] {strides = array<i32>} : memref<4x128xi32, #tpu.memory_space<vmem>>, vector<1x16xi32>,
    %get3A_506 = vector.shape_cast %get3A_505 : vector<1x16xi32> to vector<16xi32>
    %and3A_507 = arith.constant 131071 : i32
    %and3A_508 = vector.broadcast %and3A_507 : i32 to vector<16xi32>
    %and3A_509 = arith.andi %get3A_506, %and3A_508 : vector<16xi32>
    %swap3A_510 = arith.constant 2 : i32
    %swap3A_511 = arith.index_cast %swap3A_510 : i32 to index
    %swap3A_512 = arith.constant 32 : index
    %swap3A_513 = tpu.vector_load %arg10[%swap3A_511, %swap3A_512] {strides = array<i32>} : memref<4x128xi32, #tpu.memory_space<vmem>>, vector<1x16xi32>,
    %swap3A_514 = vector.shape_cast %swap3A_513 : vector<1x16xi32> to vector<16xi32>
    %swap3A_515 = vector.shape_cast %and3A_509 : vector<16xi32> to vector<1x16xi32>
    tpu.vector_store %arg10[%swap3A_511, %swap3A_512], %swap3A_515 {strides = array<i32>} : memref<4x128xi32, #tpu.memory_space<vmem>>, vector<1x16xi32>,
    %get3A_516 = arith.constant 2 : i32
    %get3A_517 = arith.index_cast %get3A_516 : i32 to index
    %get3A_518 = arith.constant 32 : index
    %get3A_519 = tpu.vector_load %arg9[%get3A_517, %get3A_518] {strides = array<i32>} : memref<4x128xi32, #tpu.memory_space<vmem>>, vector<1x16xi32>,
    %get3A_520 = vector.shape_cast %get3A_519 : vector<1x16xi32> to vector<16xi32>
    %and3A_521 = arith.constant 131071 : i32
    %and3A_522 = vector.broadcast %and3A_521 : i32 to vector<16xi32>
    %and3A_523 = arith.andi %get3A_520, %and3A_522 : vector<16xi32>
    %swap3A_524 = arith.constant 2 : i32
    %swap3A_525 = arith.index_cast %swap3A_524 : i32 to index
    %swap3A_526 = arith.constant 32 : index
    %swap3A_527 = tpu.vector_load %arg11[%swap3A_525, %swap3A_526] {strides = array<i32>} : memref<4x128xi32, #tpu.memory_space<vmem>>, vector<1x16xi32>,
    %swap3A_528 = vector.shape_cast %swap3A_527 : vector<1x16xi32> to vector<16xi32>
    %swap3A_529 = vector.shape_cast %and3A_523 : vector<16xi32> to vector<1x16xi32>
    tpu.vector_store %arg11[%swap3A_525, %swap3A_526], %swap3A_529 {strides = array<i32>} : memref<4x128xi32, #tpu.memory_space<vmem>>, vector<1x16xi32>,
    %get3A_530 = arith.constant 2 : i32
    %get3A_531 = arith.index_cast %get3A_530 : i32 to index
    %get3A_532 = arith.constant 48 : index
    %get3A_533 = tpu.vector_load %arg8[%get3A_531, %get3A_532] {strides = array<i32>} : memref<4x128xi32, #tpu.memory_space<vmem>>, vector<1x16xi32>,
    %get3A_534 = vector.shape_cast %get3A_533 : vector<1x16xi32> to vector<16xi32>
    %and3A_535 = arith.constant 131071 : i32
    %and3A_536 = vector.broadcast %and3A_535 : i32 to vector<16xi32>
    %and3A_537 = arith.andi %get3A_534, %and3A_536 : vector<16xi32>
    %swap3A_538 = arith.constant 2 : i32
    %swap3A_539 = arith.index_cast %swap3A_538 : i32 to index
    %swap3A_540 = arith.constant 48 : index
    %swap3A_541 = tpu.vector_load %arg10[%swap3A_539, %swap3A_540] {strides = array<i32>} : memref<4x128xi32, #tpu.memory_space<vmem>>, vector<1x16xi32>,
    %swap3A_542 = vector.shape_cast %swap3A_541 : vector<1x16xi32> to vector<16xi32>
    %swap3A_543 = vector.shape_cast %and3A_537 : vector<16xi32> to vector<1x16xi32>
    tpu.vector_store %arg10[%swap3A_539, %swap3A_540], %swap3A_543 {strides = array<i32>} : memref<4x128xi32, #tpu.memory_space<vmem>>, vector<1x16xi32>,
    %get3A_544 = arith.constant 2 : i32
    %get3A_545 = arith.index_cast %get3A_544 : i32 to index
    %get3A_546 = arith.constant 48 : index
    %get3A_547 = tpu.vector_load %arg9[%get3A_545, %get3A_546] {strides = array<i32>} : memref<4x128xi32, #tpu.memory_space<vmem>>, vector<1x16xi32>,
    %get3A_548 = vector.shape_cast %get3A_547 : vector<1x16xi32> to vector<16xi32>
    %and3A_549 = arith.constant 131071 : i32
    %and3A_550 = vector.broadcast %and3A_549 : i32 to vector<16xi32>
    %and3A_551 = arith.andi %get3A_548, %and3A_550 : vector<16xi32>
    %swap3A_552 = arith.constant 2 : i32
    %swap3A_553 = arith.index_cast %swap3A_552 : i32 to index
    %swap3A_554 = arith.constant 48 : index
    %swap3A_555 = tpu.vector_load %arg11[%swap3A_553, %swap3A_554] {strides = array<i32>} : memref<4x128xi32, #tpu.memory_space<vmem>>, vector<1x16xi32>,
    %swap3A_556 = vector.shape_cast %swap3A_555 : vector<1x16xi32> to vector<16xi32>
    %swap3A_557 = vector.shape_cast %and3A_551 : vector<16xi32> to vector<1x16xi32>
    tpu.vector_store %arg11[%swap3A_553, %swap3A_554], %swap3A_557 {strides = array<i32>} : memref<4x128xi32, #tpu.memory_space<vmem>>, vector<1x16xi32>,
    %get3A_558 = arith.constant 2 : i32
    %get3A_559 = arith.index_cast %get3A_558 : i32 to index
    %get3A_560 = arith.constant 64 : index
    %get3A_561 = tpu.vector_load %arg8[%get3A_559, %get3A_560] {strides = array<i32>} : memref<4x128xi32, #tpu.memory_space<vmem>>, vector<1x16xi32>,
    %get3A_562 = vector.shape_cast %get3A_561 : vector<1x16xi32> to vector<16xi32>
    %and3A_563 = arith.constant 131071 : i32
    %and3A_564 = vector.broadcast %and3A_563 : i32 to vector<16xi32>
    %and3A_565 = arith.andi %get3A_562, %and3A_564 : vector<16xi32>
    %swap3A_566 = arith.constant 2 : i32
    %swap3A_567 = arith.index_cast %swap3A_566 : i32 to index
    %swap3A_568 = arith.constant 64 : index
    %swap3A_569 = tpu.vector_load %arg10[%swap3A_567, %swap3A_568] {strides = array<i32>} : memref<4x128xi32, #tpu.memory_space<vmem>>, vector<1x16xi32>,
    %swap3A_570 = vector.shape_cast %swap3A_569 : vector<1x16xi32> to vector<16xi32>
    %swap3A_571 = vector.shape_cast %and3A_565 : vector<16xi32> to vector<1x16xi32>
    tpu.vector_store %arg10[%swap3A_567, %swap3A_568], %swap3A_571 {strides = array<i32>} : memref<4x128xi32, #tpu.memory_space<vmem>>, vector<1x16xi32>,
    %get3A_572 = arith.constant 2 : i32
    %get3A_573 = arith.index_cast %get3A_572 : i32 to index
    %get3A_574 = arith.constant 64 : index
    %get3A_575 = tpu.vector_load %arg9[%get3A_573, %get3A_574] {strides = array<i32>} : memref<4x128xi32, #tpu.memory_space<vmem>>, vector<1x16xi32>,
    %get3A_576 = vector.shape_cast %get3A_575 : vector<1x16xi32> to vector<16xi32>
    %and3A_577 = arith.constant 131071 : i32
    %and3A_578 = vector.broadcast %and3A_577 : i32 to vector<16xi32>
    %and3A_579 = arith.andi %get3A_576, %and3A_578 : vector<16xi32>
    %swap3A_580 = arith.constant 2 : i32
    %swap3A_581 = arith.index_cast %swap3A_580 : i32 to index
    %swap3A_582 = arith.constant 64 : index
    %swap3A_583 = tpu.vector_load %arg11[%swap3A_581, %swap3A_582] {strides = array<i32>} : memref<4x128xi32, #tpu.memory_space<vmem>>, vector<1x16xi32>,
    %swap3A_584 = vector.shape_cast %swap3A_583 : vector<1x16xi32> to vector<16xi32>
    %swap3A_585 = vector.shape_cast %and3A_579 : vector<16xi32> to vector<1x16xi32>
    tpu.vector_store %arg11[%swap3A_581, %swap3A_582], %swap3A_585 {strides = array<i32>} : memref<4x128xi32, #tpu.memory_space<vmem>>, vector<1x16xi32>,
    %get3A_586 = arith.constant 2 : i32
    %get3A_587 = arith.index_cast %get3A_586 : i32 to index
    %get3A_588 = arith.constant 80 : index
    %get3A_589 = tpu.vector_load %arg8[%get3A_587, %get3A_588] {strides = array<i32>} : memref<4x128xi32, #tpu.memory_space<vmem>>, vector<1x16xi32>,
    %get3A_590 = vector.shape_cast %get3A_589 : vector<1x16xi32> to vector<16xi32>
    %and3A_591 = arith.constant 131071 : i32
    %and3A_592 = vector.broadcast %and3A_591 : i32 to vector<16xi32>
    %and3A_593 = arith.andi %get3A_590, %and3A_592 : vector<16xi32>
    %swap3A_594 = arith.constant 2 : i32
    %swap3A_595 = arith.index_cast %swap3A_594 : i32 to index
    %swap3A_596 = arith.constant 80 : index
    %swap3A_597 = tpu.vector_load %arg10[%swap3A_595, %swap3A_596] {strides = array<i32>} : memref<4x128xi32, #tpu.memory_space<vmem>>, vector<1x16xi32>,
    %swap3A_598 = vector.shape_cast %swap3A_597 : vector<1x16xi32> to vector<16xi32>
    %swap3A_599 = vector.shape_cast %and3A_593 : vector<16xi32> to vector<1x16xi32>
    tpu.vector_store %arg10[%swap3A_595, %swap3A_596], %swap3A_599 {strides = array<i32>} : memref<4x128xi32, #tpu.memory_space<vmem>>, vector<1x16xi32>,
    %get3A_600 = arith.constant 2 : i32
    %get3A_601 = arith.index_cast %get3A_600 : i32 to index
    %get3A_602 = arith.constant 80 : index
    %get3A_603 = tpu.vector_load %arg9[%get3A_601, %get3A_602] {strides = array<i32>} : memref<4x128xi32, #tpu.memory_space<vmem>>, vector<1x16xi32>,
    %get3A_604 = vector.shape_cast %get3A_603 : vector<1x16xi32> to vector<16xi32>
    %and3A_605 = arith.constant 131071 : i32
    %and3A_606 = vector.broadcast %and3A_605 : i32 to vector<16xi32>
    %and3A_607 = arith.andi %get3A_604, %and3A_606 : vector<16xi32>
    %swap3A_608 = arith.constant 2 : i32
    %swap3A_609 = arith.index_cast %swap3A_608 : i32 to index
    %swap3A_610 = arith.constant 80 : index
    %swap3A_611 = tpu.vector_load %arg11[%swap3A_609, %swap3A_610] {strides = array<i32>} : memref<4x128xi32, #tpu.memory_space<vmem>>, vector<1x16xi32>,
    %swap3A_612 = vector.shape_cast %swap3A_611 : vector<1x16xi32> to vector<16xi32>
    %swap3A_613 = vector.shape_cast %and3A_607 : vector<16xi32> to vector<1x16xi32>
    tpu.vector_store %arg11[%swap3A_609, %swap3A_610], %swap3A_613 {strides = array<i32>} : memref<4x128xi32, #tpu.memory_space<vmem>>, vector<1x16xi32>,
    %get3A_614 = arith.constant 2 : i32
    %get3A_615 = arith.index_cast %get3A_614 : i32 to index
    %get3A_616 = arith.constant 96 : index
    %get3A_617 = tpu.vector_load %arg8[%get3A_615, %get3A_616] {strides = array<i32>} : memref<4x128xi32, #tpu.memory_space<vmem>>, vector<1x16xi32>,
    %get3A_618 = vector.shape_cast %get3A_617 : vector<1x16xi32> to vector<16xi32>
    %and3A_619 = arith.constant 131071 : i32
    %and3A_620 = vector.broadcast %and3A_619 : i32 to vector<16xi32>
    %and3A_621 = arith.andi %get3A_618, %and3A_620 : vector<16xi32>
    %swap3A_622 = arith.constant 2 : i32
    %swap3A_623 = arith.index_cast %swap3A_622 : i32 to index
    %swap3A_624 = arith.constant 96 : index
    %swap3A_625 = tpu.vector_load %arg10[%swap3A_623, %swap3A_624] {strides = array<i32>} : memref<4x128xi32, #tpu.memory_space<vmem>>, vector<1x16xi32>,
    %swap3A_626 = vector.shape_cast %swap3A_625 : vector<1x16xi32> to vector<16xi32>
    %swap3A_627 = vector.shape_cast %and3A_621 : vector<16xi32> to vector<1x16xi32>
    tpu.vector_store %arg10[%swap3A_623, %swap3A_624], %swap3A_627 {strides = array<i32>} : memref<4x128xi32, #tpu.memory_space<vmem>>, vector<1x16xi32>,
    %get3A_628 = arith.constant 2 : i32
    %get3A_629 = arith.index_cast %get3A_628 : i32 to index
    %get3A_630 = arith.constant 96 : index
    %get3A_631 = tpu.vector_load %arg9[%get3A_629, %get3A_630] {strides = array<i32>} : memref<4x128xi32, #tpu.memory_space<vmem>>, vector<1x16xi32>,
    %get3A_632 = vector.shape_cast %get3A_631 : vector<1x16xi32> to vector<16xi32>
    %and3A_633 = arith.constant 131071 : i32
    %and3A_634 = vector.broadcast %and3A_633 : i32 to vector<16xi32>
    %and3A_635 = arith.andi %get3A_632, %and3A_634 : vector<16xi32>
    %swap3A_636 = arith.constant 2 : i32
    %swap3A_637 = arith.index_cast %swap3A_636 : i32 to index
    %swap3A_638 = arith.constant 96 : index
    %swap3A_639 = tpu.vector_load %arg11[%swap3A_637, %swap3A_638] {strides = array<i32>} : memref<4x128xi32, #tpu.memory_space<vmem>>, vector<1x16xi32>,
    %swap3A_640 = vector.shape_cast %swap3A_639 : vector<1x16xi32> to vector<16xi32>
    %swap3A_641 = vector.shape_cast %and3A_635 : vector<16xi32> to vector<1x16xi32>
    tpu.vector_store %arg11[%swap3A_637, %swap3A_638], %swap3A_641 {strides = array<i32>} : memref<4x128xi32, #tpu.memory_space<vmem>>, vector<1x16xi32>,
    %get3A_642 = arith.constant 2 : i32
    %get3A_643 = arith.index_cast %get3A_642 : i32 to index
    %get3A_644 = arith.constant 112 : index
    %get3A_645 = tpu.vector_load %arg8[%get3A_643, %get3A_644] {strides = array<i32>} : memref<4x128xi32, #tpu.memory_space<vmem>>, vector<1x16xi32>,
    %get3A_646 = vector.shape_cast %get3A_645 : vector<1x16xi32> to vector<16xi32>
    %and3A_647 = arith.constant 131071 : i32
    %and3A_648 = vector.broadcast %and3A_647 : i32 to vector<16xi32>
    %and3A_649 = arith.andi %get3A_646, %and3A_648 : vector<16xi32>
    %swap3A_650 = arith.constant 2 : i32
    %swap3A_651 = arith.index_cast %swap3A_650 : i32 to index
    %swap3A_652 = arith.constant 112 : index
    %swap3A_653 = tpu.vector_load %arg10[%swap3A_651, %swap3A_652] {strides = array<i32>} : memref<4x128xi32, #tpu.memory_space<vmem>>, vector<1x16xi32>,
    %swap3A_654 = vector.shape_cast %swap3A_653 : vector<1x16xi32> to vector<16xi32>
    %swap3A_655 = vector.shape_cast %and3A_649 : vector<16xi32> to vector<1x16xi32>
    tpu.vector_store %arg10[%swap3A_651, %swap3A_652], %swap3A_655 {strides = array<i32>} : memref<4x128xi32, #tpu.memory_space<vmem>>, vector<1x16xi32>,
    %get3A_656 = arith.constant 2 : i32
    %get3A_657 = arith.index_cast %get3A_656 : i32 to index
    %get3A_658 = arith.constant 112 : index
    %get3A_659 = tpu.vector_load %arg9[%get3A_657, %get3A_658] {strides = array<i32>} : memref<4x128xi32, #tpu.memory_space<vmem>>, vector<1x16xi32>,
    %get3A_660 = vector.shape_cast %get3A_659 : vector<1x16xi32> to vector<16xi32>
    %and3A_661 = arith.constant 131071 : i32
    %and3A_662 = vector.broadcast %and3A_661 : i32 to vector<16xi32>
    %and3A_663 = arith.andi %get3A_660, %and3A_662 : vector<16xi32>
    %swap3A_664 = arith.constant 2 : i32
    %swap3A_665 = arith.index_cast %swap3A_664 : i32 to index
    %swap3A_666 = arith.constant 112 : index
    %swap3A_667 = tpu.vector_load %arg11[%swap3A_665, %swap3A_666] {strides = array<i32>} : memref<4x128xi32, #tpu.memory_space<vmem>>, vector<1x16xi32>,
    %swap3A_668 = vector.shape_cast %swap3A_667 : vector<1x16xi32> to vector<16xi32>
    %swap3A_669 = vector.shape_cast %and3A_663 : vector<16xi32> to vector<1x16xi32>
    tpu.vector_store %arg11[%swap3A_665, %swap3A_666], %swap3A_669 {strides = array<i32>} : memref<4x128xi32, #tpu.memory_space<vmem>>, vector<1x16xi32>,
    %get3A_670 = arith.constant 3 : i32
    %get3A_671 = arith.index_cast %get3A_670 : i32 to index
    %get3A_672 = arith.constant 0 : index
    %get3A_673 = tpu.vector_load %arg8[%get3A_671, %get3A_672] {strides = array<i32>} : memref<4x128xi32, #tpu.memory_space<vmem>>, vector<1x16xi32>,
    %get3A_674 = vector.shape_cast %get3A_673 : vector<1x16xi32> to vector<16xi32>
    %and3A_675 = arith.constant 131071 : i32
    %and3A_676 = vector.broadcast %and3A_675 : i32 to vector<16xi32>
    %and3A_677 = arith.andi %get3A_674, %and3A_676 : vector<16xi32>
    %swap3A_678 = arith.constant 3 : i32
    %swap3A_679 = arith.index_cast %swap3A_678 : i32 to index
    %swap3A_680 = arith.constant 0 : index
    %swap3A_681 = tpu.vector_load %arg10[%swap3A_679, %swap3A_680] {strides = array<i32>} : memref<4x128xi32, #tpu.memory_space<vmem>>, vector<1x16xi32>,
    %swap3A_682 = vector.shape_cast %swap3A_681 : vector<1x16xi32> to vector<16xi32>
    %swap3A_683 = vector.shape_cast %and3A_677 : vector<16xi32> to vector<1x16xi32>
    tpu.vector_store %arg10[%swap3A_679, %swap3A_680], %swap3A_683 {strides = array<i32>} : memref<4x128xi32, #tpu.memory_space<vmem>>, vector<1x16xi32>,
    %get3A_684 = arith.constant 3 : i32
    %get3A_685 = arith.index_cast %get3A_684 : i32 to index
    %get3A_686 = arith.constant 0 : index
    %get3A_687 = tpu.vector_load %arg9[%get3A_685, %get3A_686] {strides = array<i32>} : memref<4x128xi32, #tpu.memory_space<vmem>>, vector<1x16xi32>,
    %get3A_688 = vector.shape_cast %get3A_687 : vector<1x16xi32> to vector<16xi32>
    %and3A_689 = arith.constant 131071 : i32
    %and3A_690 = vector.broadcast %and3A_689 : i32 to vector<16xi32>
    %and3A_691 = arith.andi %get3A_688, %and3A_690 : vector<16xi32>
    %swap3A_692 = arith.constant 3 : i32
    %swap3A_693 = arith.index_cast %swap3A_692 : i32 to index
    %swap3A_694 = arith.constant 0 : index
    %swap3A_695 = tpu.vector_load %arg11[%swap3A_693, %swap3A_694] {strides = array<i32>} : memref<4x128xi32, #tpu.memory_space<vmem>>, vector<1x16xi32>,
    %swap3A_696 = vector.shape_cast %swap3A_695 : vector<1x16xi32> to vector<16xi32>
    %swap3A_697 = vector.shape_cast %and3A_691 : vector<16xi32> to vector<1x16xi32>
    tpu.vector_store %arg11[%swap3A_693, %swap3A_694], %swap3A_697 {strides = array<i32>} : memref<4x128xi32, #tpu.memory_space<vmem>>, vector<1x16xi32>,
    %get3A_698 = arith.constant 3 : i32
    %get3A_699 = arith.index_cast %get3A_698 : i32 to index
    %get3A_700 = arith.constant 16 : index
    %get3A_701 = tpu.vector_load %arg8[%get3A_699, %get3A_700] {strides = array<i32>} : memref<4x128xi32, #tpu.memory_space<vmem>>, vector<1x16xi32>,
    %get3A_702 = vector.shape_cast %get3A_701 : vector<1x16xi32> to vector<16xi32>
    %and3A_703 = arith.constant 131071 : i32
    %and3A_704 = vector.broadcast %and3A_703 : i32 to vector<16xi32>
    %and3A_705 = arith.andi %get3A_702, %and3A_704 : vector<16xi32>
    %swap3A_706 = arith.constant 3 : i32
    %swap3A_707 = arith.index_cast %swap3A_706 : i32 to index
    %swap3A_708 = arith.constant 16 : index
    %swap3A_709 = tpu.vector_load %arg10[%swap3A_707, %swap3A_708] {strides = array<i32>} : memref<4x128xi32, #tpu.memory_space<vmem>>, vector<1x16xi32>,
    %swap3A_710 = vector.shape_cast %swap3A_709 : vector<1x16xi32> to vector<16xi32>
    %swap3A_711 = vector.shape_cast %and3A_705 : vector<16xi32> to vector<1x16xi32>
    tpu.vector_store %arg10[%swap3A_707, %swap3A_708], %swap3A_711 {strides = array<i32>} : memref<4x128xi32, #tpu.memory_space<vmem>>, vector<1x16xi32>,
    %get3A_712 = arith.constant 3 : i32
    %get3A_713 = arith.index_cast %get3A_712 : i32 to index
    %get3A_714 = arith.constant 16 : index
    %get3A_715 = tpu.vector_load %arg9[%get3A_713, %get3A_714] {strides = array<i32>} : memref<4x128xi32, #tpu.memory_space<vmem>>, vector<1x16xi32>,
    %get3A_716 = vector.shape_cast %get3A_715 : vector<1x16xi32> to vector<16xi32>
    %and3A_717 = arith.constant 131071 : i32
    %and3A_718 = vector.broadcast %and3A_717 : i32 to vector<16xi32>
    %and3A_719 = arith.andi %get3A_716, %and3A_718 : vector<16xi32>
    %swap3A_720 = arith.constant 3 : i32
    %swap3A_721 = arith.index_cast %swap3A_720 : i32 to index
    %swap3A_722 = arith.constant 16 : index
    %swap3A_723 = tpu.vector_load %arg11[%swap3A_721, %swap3A_722] {strides = array<i32>} : memref<4x128xi32, #tpu.memory_space<vmem>>, vector<1x16xi32>,
    %swap3A_724 = vector.shape_cast %swap3A_723 : vector<1x16xi32> to vector<16xi32>
    %swap3A_725 = vector.shape_cast %and3A_719 : vector<16xi32> to vector<1x16xi32>
    tpu.vector_store %arg11[%swap3A_721, %swap3A_722], %swap3A_725 {strides = array<i32>} : memref<4x128xi32, #tpu.memory_space<vmem>>, vector<1x16xi32>,
    %get3A_726 = arith.constant 3 : i32
    %get3A_727 = arith.index_cast %get3A_726 : i32 to index
    %get3A_728 = arith.constant 32 : index
    %get3A_729 = tpu.vector_load %arg8[%get3A_727, %get3A_728] {strides = array<i32>} : memref<4x128xi32, #tpu.memory_space<vmem>>, vector<1x16xi32>,
    %get3A_730 = vector.shape_cast %get3A_729 : vector<1x16xi32> to vector<16xi32>
    %and3A_731 = arith.constant 131071 : i32
    %and3A_732 = vector.broadcast %and3A_731 : i32 to vector<16xi32>
    %and3A_733 = arith.andi %get3A_730, %and3A_732 : vector<16xi32>
    %swap3A_734 = arith.constant 3 : i32
    %swap3A_735 = arith.index_cast %swap3A_734 : i32 to index
    %swap3A_736 = arith.constant 32 : index
    %swap3A_737 = tpu.vector_load %arg10[%swap3A_735, %swap3A_736] {strides = array<i32>} : memref<4x128xi32, #tpu.memory_space<vmem>>, vector<1x16xi32>,
    %swap3A_738 = vector.shape_cast %swap3A_737 : vector<1x16xi32> to vector<16xi32>
    %swap3A_739 = vector.shape_cast %and3A_733 : vector<16xi32> to vector<1x16xi32>
    tpu.vector_store %arg10[%swap3A_735, %swap3A_736], %swap3A_739 {strides = array<i32>} : memref<4x128xi32, #tpu.memory_space<vmem>>, vector<1x16xi32>,
    %get3A_740 = arith.constant 3 : i32
    %get3A_741 = arith.index_cast %get3A_740 : i32 to index
    %get3A_742 = arith.constant 32 : index
    %get3A_743 = tpu.vector_load %arg9[%get3A_741, %get3A_742] {strides = array<i32>} : memref<4x128xi32, #tpu.memory_space<vmem>>, vector<1x16xi32>,
    %get3A_744 = vector.shape_cast %get3A_743 : vector<1x16xi32> to vector<16xi32>
    %and3A_745 = arith.constant 131071 : i32
    %and3A_746 = vector.broadcast %and3A_745 : i32 to vector<16xi32>
    %and3A_747 = arith.andi %get3A_744, %and3A_746 : vector<16xi32>
    %swap3A_748 = arith.constant 3 : i32
    %swap3A_749 = arith.index_cast %swap3A_748 : i32 to index
    %swap3A_750 = arith.constant 32 : index
    %swap3A_751 = tpu.vector_load %arg11[%swap3A_749, %swap3A_750] {strides = array<i32>} : memref<4x128xi32, #tpu.memory_space<vmem>>, vector<1x16xi32>,
    %swap3A_752 = vector.shape_cast %swap3A_751 : vector<1x16xi32> to vector<16xi32>
    %swap3A_753 = vector.shape_cast %and3A_747 : vector<16xi32> to vector<1x16xi32>
    tpu.vector_store %arg11[%swap3A_749, %swap3A_750], %swap3A_753 {strides = array<i32>} : memref<4x128xi32, #tpu.memory_space<vmem>>, vector<1x16xi32>,
    %get3A_754 = arith.constant 3 : i32
    %get3A_755 = arith.index_cast %get3A_754 : i32 to index
    %get3A_756 = arith.constant 48 : index
    %get3A_757 = tpu.vector_load %arg8[%get3A_755, %get3A_756] {strides = array<i32>} : memref<4x128xi32, #tpu.memory_space<vmem>>, vector<1x16xi32>,
    %get3A_758 = vector.shape_cast %get3A_757 : vector<1x16xi32> to vector<16xi32>
    %and3A_759 = arith.constant 131071 : i32
    %and3A_760 = vector.broadcast %and3A_759 : i32 to vector<16xi32>
    %and3A_761 = arith.andi %get3A_758, %and3A_760 : vector<16xi32>
    %swap3A_762 = arith.constant 3 : i32
    %swap3A_763 = arith.index_cast %swap3A_762 : i32 to index
    %swap3A_764 = arith.constant 48 : index
    %swap3A_765 = tpu.vector_load %arg10[%swap3A_763, %swap3A_764] {strides = array<i32>} : memref<4x128xi32, #tpu.memory_space<vmem>>, vector<1x16xi32>,
    %swap3A_766 = vector.shape_cast %swap3A_765 : vector<1x16xi32> to vector<16xi32>
    %swap3A_767 = vector.shape_cast %and3A_761 : vector<16xi32> to vector<1x16xi32>
    tpu.vector_store %arg10[%swap3A_763, %swap3A_764], %swap3A_767 {strides = array<i32>} : memref<4x128xi32, #tpu.memory_space<vmem>>, vector<1x16xi32>,
    %get3A_768 = arith.constant 3 : i32
    %get3A_769 = arith.index_cast %get3A_768 : i32 to index
    %get3A_770 = arith.constant 48 : index
    %get3A_771 = tpu.vector_load %arg9[%get3A_769, %get3A_770] {strides = array<i32>} : memref<4x128xi32, #tpu.memory_space<vmem>>, vector<1x16xi32>,
    %get3A_772 = vector.shape_cast %get3A_771 : vector<1x16xi32> to vector<16xi32>
    %and3A_773 = arith.constant 131071 : i32
    %and3A_774 = vector.broadcast %and3A_773 : i32 to vector<16xi32>
    %and3A_775 = arith.andi %get3A_772, %and3A_774 : vector<16xi32>
    %swap3A_776 = arith.constant 3 : i32
    %swap3A_777 = arith.index_cast %swap3A_776 : i32 to index
    %swap3A_778 = arith.constant 48 : index
    %swap3A_779 = tpu.vector_load %arg11[%swap3A_777, %swap3A_778] {strides = array<i32>} : memref<4x128xi32, #tpu.memory_space<vmem>>, vector<1x16xi32>,
    %swap3A_780 = vector.shape_cast %swap3A_779 : vector<1x16xi32> to vector<16xi32>
    %swap3A_781 = vector.shape_cast %and3A_775 : vector<16xi32> to vector<1x16xi32>
    tpu.vector_store %arg11[%swap3A_777, %swap3A_778], %swap3A_781 {strides = array<i32>} : memref<4x128xi32, #tpu.memory_space<vmem>>, vector<1x16xi32>,
    %get3A_782 = arith.constant 3 : i32
    %get3A_783 = arith.index_cast %get3A_782 : i32 to index
    %get3A_784 = arith.constant 64 : index
    %get3A_785 = tpu.vector_load %arg8[%get3A_783, %get3A_784] {strides = array<i32>} : memref<4x128xi32, #tpu.memory_space<vmem>>, vector<1x16xi32>,
    %get3A_786 = vector.shape_cast %get3A_785 : vector<1x16xi32> to vector<16xi32>
    %and3A_787 = arith.constant 131071 : i32
    %and3A_788 = vector.broadcast %and3A_787 : i32 to vector<16xi32>
    %and3A_789 = arith.andi %get3A_786, %and3A_788 : vector<16xi32>
    %swap3A_790 = arith.constant 3 : i32
    %swap3A_791 = arith.index_cast %swap3A_790 : i32 to index
    %swap3A_792 = arith.constant 64 : index
    %swap3A_793 = tpu.vector_load %arg10[%swap3A_791, %swap3A_792] {strides = array<i32>} : memref<4x128xi32, #tpu.memory_space<vmem>>, vector<1x16xi32>,
    %swap3A_794 = vector.shape_cast %swap3A_793 : vector<1x16xi32> to vector<16xi32>
    %swap3A_795 = vector.shape_cast %and3A_789 : vector<16xi32> to vector<1x16xi32>
    tpu.vector_store %arg10[%swap3A_791, %swap3A_792], %swap3A_795 {strides = array<i32>} : memref<4x128xi32, #tpu.memory_space<vmem>>, vector<1x16xi32>,
    %get3A_796 = arith.constant 3 : i32
    %get3A_797 = arith.index_cast %get3A_796 : i32 to index
    %get3A_798 = arith.constant 64 : index
    %get3A_799 = tpu.vector_load %arg9[%get3A_797, %get3A_798] {strides = array<i32>} : memref<4x128xi32, #tpu.memory_space<vmem>>, vector<1x16xi32>,
    %get3A_800 = vector.shape_cast %get3A_799 : vector<1x16xi32> to vector<16xi32>
    %and3A_801 = arith.constant 131071 : i32
    %and3A_802 = vector.broadcast %and3A_801 : i32 to vector<16xi32>
    %and3A_803 = arith.andi %get3A_800, %and3A_802 : vector<16xi32>
    %swap3A_804 = arith.constant 3 : i32
    %swap3A_805 = arith.index_cast %swap3A_804 : i32 to index
    %swap3A_806 = arith.constant 64 : index
    %swap3A_807 = tpu.vector_load %arg11[%swap3A_805, %swap3A_806] {strides = array<i32>} : memref<4x128xi32, #tpu.memory_space<vmem>>, vector<1x16xi32>,
    %swap3A_808 = vector.shape_cast %swap3A_807 : vector<1x16xi32> to vector<16xi32>
    %swap3A_809 = vector.shape_cast %and3A_803 : vector<16xi32> to vector<1x16xi32>
    tpu.vector_store %arg11[%swap3A_805, %swap3A_806], %swap3A_809 {strides = array<i32>} : memref<4x128xi32, #tpu.memory_space<vmem>>, vector<1x16xi32>,
    %get3A_810 = arith.constant 3 : i32
    %get3A_811 = arith.index_cast %get3A_810 : i32 to index
    %get3A_812 = arith.constant 80 : index
    %get3A_813 = tpu.vector_load %arg8[%get3A_811, %get3A_812] {strides = array<i32>} : memref<4x128xi32, #tpu.memory_space<vmem>>, vector<1x16xi32>,
    %get3A_814 = vector.shape_cast %get3A_813 : vector<1x16xi32> to vector<16xi32>
    %and3A_815 = arith.constant 131071 : i32
    %and3A_816 = vector.broadcast %and3A_815 : i32 to vector<16xi32>
    %and3A_817 = arith.andi %get3A_814, %and3A_816 : vector<16xi32>
    %swap3A_818 = arith.constant 3 : i32
    %swap3A_819 = arith.index_cast %swap3A_818 : i32 to index
    %swap3A_820 = arith.constant 80 : index
    %swap3A_821 = tpu.vector_load %arg10[%swap3A_819, %swap3A_820] {strides = array<i32>} : memref<4x128xi32, #tpu.memory_space<vmem>>, vector<1x16xi32>,
    %swap3A_822 = vector.shape_cast %swap3A_821 : vector<1x16xi32> to vector<16xi32>
    %swap3A_823 = vector.shape_cast %and3A_817 : vector<16xi32> to vector<1x16xi32>
    tpu.vector_store %arg10[%swap3A_819, %swap3A_820], %swap3A_823 {strides = array<i32>} : memref<4x128xi32, #tpu.memory_space<vmem>>, vector<1x16xi32>,
    %get3A_824 = arith.constant 3 : i32
    %get3A_825 = arith.index_cast %get3A_824 : i32 to index
    %get3A_826 = arith.constant 80 : index
    %get3A_827 = tpu.vector_load %arg9[%get3A_825, %get3A_826] {strides = array<i32>} : memref<4x128xi32, #tpu.memory_space<vmem>>, vector<1x16xi32>,
    %get3A_828 = vector.shape_cast %get3A_827 : vector<1x16xi32> to vector<16xi32>
    %and3A_829 = arith.constant 131071 : i32
    %and3A_830 = vector.broadcast %and3A_829 : i32 to vector<16xi32>
    %and3A_831 = arith.andi %get3A_828, %and3A_830 : vector<16xi32>
    %swap3A_832 = arith.constant 3 : i32
    %swap3A_833 = arith.index_cast %swap3A_832 : i32 to index
    %swap3A_834 = arith.constant 80 : index
    %swap3A_835 = tpu.vector_load %arg11[%swap3A_833, %swap3A_834] {strides = array<i32>} : memref<4x128xi32, #tpu.memory_space<vmem>>, vector<1x16xi32>,
    %swap3A_836 = vector.shape_cast %swap3A_835 : vector<1x16xi32> to vector<16xi32>
    %swap3A_837 = vector.shape_cast %and3A_831 : vector<16xi32> to vector<1x16xi32>
    tpu.vector_store %arg11[%swap3A_833, %swap3A_834], %swap3A_837 {strides = array<i32>} : memref<4x128xi32, #tpu.memory_space<vmem>>, vector<1x16xi32>,
    %get3A_838 = arith.constant 3 : i32
    %get3A_839 = arith.index_cast %get3A_838 : i32 to index
    %get3A_840 = arith.constant 96 : index
    %get3A_841 = tpu.vector_load %arg8[%get3A_839, %get3A_840] {strides = array<i32>} : memref<4x128xi32, #tpu.memory_space<vmem>>, vector<1x16xi32>,
    %get3A_842 = vector.shape_cast %get3A_841 : vector<1x16xi32> to vector<16xi32>
    %and3A_843 = arith.constant 131071 : i32
    %and3A_844 = vector.broadcast %and3A_843 : i32 to vector<16xi32>
    %and3A_845 = arith.andi %get3A_842, %and3A_844 : vector<16xi32>
    %swap3A_846 = arith.constant 3 : i32
    %swap3A_847 = arith.index_cast %swap3A_846 : i32 to index
    %swap3A_848 = arith.constant 96 : index
    %swap3A_849 = tpu.vector_load %arg10[%swap3A_847, %swap3A_848] {strides = array<i32>} : memref<4x128xi32, #tpu.memory_space<vmem>>, vector<1x16xi32>,
    %swap3A_850 = vector.shape_cast %swap3A_849 : vector<1x16xi32> to vector<16xi32>
    %swap3A_851 = vector.shape_cast %and3A_845 : vector<16xi32> to vector<1x16xi32>
    tpu.vector_store %arg10[%swap3A_847, %swap3A_848], %swap3A_851 {strides = array<i32>} : memref<4x128xi32, #tpu.memory_space<vmem>>, vector<1x16xi32>,
    %get3A_852 = arith.constant 3 : i32
    %get3A_853 = arith.index_cast %get3A_852 : i32 to index
    %get3A_854 = arith.constant 96 : index
    %get3A_855 = tpu.vector_load %arg9[%get3A_853, %get3A_854] {strides = array<i32>} : memref<4x128xi32, #tpu.memory_space<vmem>>, vector<1x16xi32>,
    %get3A_856 = vector.shape_cast %get3A_855 : vector<1x16xi32> to vector<16xi32>
    %and3A_857 = arith.constant 131071 : i32
    %and3A_858 = vector.broadcast %and3A_857 : i32 to vector<16xi32>
    %and3A_859 = arith.andi %get3A_856, %and3A_858 : vector<16xi32>
    %swap3A_860 = arith.constant 3 : i32
    %swap3A_861 = arith.index_cast %swap3A_860 : i32 to index
    %swap3A_862 = arith.constant 96 : index
    %swap3A_863 = tpu.vector_load %arg11[%swap3A_861, %swap3A_862] {strides = array<i32>} : memref<4x128xi32, #tpu.memory_space<vmem>>, vector<1x16xi32>,
    %swap3A_864 = vector.shape_cast %swap3A_863 : vector<1x16xi32> to vector<16xi32>
    %swap3A_865 = vector.shape_cast %and3A_859 : vector<16xi32> to vector<1x16xi32>
    tpu.vector_store %arg11[%swap3A_861, %swap3A_862], %swap3A_865 {strides = array<i32>} : memref<4x128xi32, #tpu.memory_space<vmem>>, vector<1x16xi32>,
    %get3A_866 = arith.constant 3 : i32
    %get3A_867 = arith.index_cast %get3A_866 : i32 to index
    %get3A_868 = arith.constant 112 : index
    %get3A_869 = tpu.vector_load %arg8[%get3A_867, %get3A_868] {strides = array<i32>} : memref<4x128xi32, #tpu.memory_space<vmem>>, vector<1x16xi32>,
    %get3A_870 = vector.shape_cast %get3A_869 : vector<1x16xi32> to vector<16xi32>
    %and3A_871 = arith.constant 131071 : i32
    %and3A_872 = vector.broadcast %and3A_871 : i32 to vector<16xi32>
    %and3A_873 = arith.andi %get3A_870, %and3A_872 : vector<16xi32>
    %swap3A_874 = arith.constant 3 : i32
    %swap3A_875 = arith.index_cast %swap3A_874 : i32 to index
    %swap3A_876 = arith.constant 112 : index
    %swap3A_877 = tpu.vector_load %arg10[%swap3A_875, %swap3A_876] {strides = array<i32>} : memref<4x128xi32, #tpu.memory_space<vmem>>, vector<1x16xi32>,
    %swap3A_878 = vector.shape_cast %swap3A_877 : vector<1x16xi32> to vector<16xi32>
    %swap3A_879 = vector.shape_cast %and3A_873 : vector<16xi32> to vector<1x16xi32>
    tpu.vector_store %arg10[%swap3A_875, %swap3A_876], %swap3A_879 {strides = array<i32>} : memref<4x128xi32, #tpu.memory_space<vmem>>, vector<1x16xi32>,
    %get3A_880 = arith.constant 3 : i32
    %get3A_881 = arith.index_cast %get3A_880 : i32 to index
    %get3A_882 = arith.constant 112 : index
    %get3A_883 = tpu.vector_load %arg9[%get3A_881, %get3A_882] {strides = array<i32>} : memref<4x128xi32, #tpu.memory_space<vmem>>, vector<1x16xi32>,
    %get3A_884 = vector.shape_cast %get3A_883 : vector<1x16xi32> to vector<16xi32>
    %and3A_885 = arith.constant 131071 : i32
    %and3A_886 = vector.broadcast %and3A_885 : i32 to vector<16xi32>
    %and3A_887 = arith.andi %get3A_884, %and3A_886 : vector<16xi32>
    %swap3A_888 = arith.constant 3 : i32
    %swap3A_889 = arith.index_cast %swap3A_888 : i32 to index
    %swap3A_890 = arith.constant 112 : index
    %swap3A_891 = tpu.vector_load %arg11[%swap3A_889, %swap3A_890] {strides = array<i32>} : memref<4x128xi32, #tpu.memory_space<vmem>>, vector<1x16xi32>,
    %swap3A_892 = vector.shape_cast %swap3A_891 : vector<1x16xi32> to vector<16xi32>
    %swap3A_893 = vector.shape_cast %and3A_887 : vector<16xi32> to vector<1x16xi32>
    tpu.vector_store %arg11[%swap3A_889, %swap3A_890], %swap3A_893 {strides = array<i32>} : memref<4x128xi32, #tpu.memory_space<vmem>>, vector<1x16xi32>,
    %dma_start3A = arith.constant 0 : i32
    %dma_start3A_894 = arith.constant 0 : i32
    %dma_start3A_895 = arith.constant 0 : i32
    %dma_start3A_896 = arith.constant 0 : i32
    %dma_start3A_897 = tpu.memref_slice %arg12[%dma_start3A_894, %dma_start3A_895, %dma_start3A_896] : memref<2x128x128xf32, #tpu.memory_space<vmem>> -> memref<1x128x128xf32, #tpu.memory_space<vmem>>
    %dma_start3A_898 = tpu.memref_squeeze %dma_start3A_897 : memref<1x128x128xf32, #tpu.memory_space<vmem>> -> memref<128x128xf32, #tpu.memory_space<vmem>>
    %dma_start3A_899 = arith.constant 0 : i32
    %dma_start3A_900 = tpu.memref_slice %arg10[%dma_start3A, %dma_start3A_899] : memref<4x128xi32, #tpu.memory_space<vmem>> -> memref<1x128xi32, #tpu.memory_space<vmem>>
    %dma_start3A_901 = tpu.memref_squeeze %dma_start3A_900 : memref<1x128xi32, #tpu.memory_space<vmem>> -> memref<128xi32, #tpu.memory_space<vmem>>
    %dma_start3A_902 = arith.constant 0 : i32
    %dma_start3A_903 = arith.constant 0 : i32
    %dma_start3A_904 = tpu.memref_slice %arg2[%dma_start3A_902, %dma_start3A_903] : memref<131072x128xf32, #tpu.memory_space<hbm>> -> memref<131072x128xf32, #tpu.memory_space<hbm>>
    tpu.enqueue_indirect_dma source(%dma_start3A_904 : memref<131072x128xf32, #tpu.memory_space<hbm>>) target(%dma_start3A_898 : memref<128x128xf32, #tpu.memory_space<vmem>>) offsets(%dma_start3A_901 : memref<128xi32, #tpu.memory_space<vmem>>) semaphore(%arg14 : memref<!tpu.dma_semaphore, #tpu.memory_space<semaphore_mem>>)
    %dma_start3A_905 = arith.constant 0 : i32
    %dma_start3A_906 = arith.constant 0 : i32
    %dma_start3A_907 = arith.constant 0 : i32
    %dma_start3A_908 = arith.constant 0 : i32
    %dma_start3A_909 = tpu.memref_slice %arg13[%dma_start3A_906, %dma_start3A_907, %dma_start3A_908] : memref<2x128x128xf32, #tpu.memory_space<vmem>> -> memref<1x128x128xf32, #tpu.memory_space<vmem>>
    %dma_start3A_910 = tpu.memref_squeeze %dma_start3A_909 : memref<1x128x128xf32, #tpu.memory_space<vmem>> -> memref<128x128xf32, #tpu.memory_space<vmem>>
    %dma_start3A_911 = arith.constant 0 : i32
    %dma_start3A_912 = tpu.memref_slice %arg11[%dma_start3A_905, %dma_start3A_911] : memref<4x128xi32, #tpu.memory_space<vmem>> -> memref<1x128xi32, #tpu.memory_space<vmem>>
    %dma_start3A_913 = tpu.memref_squeeze %dma_start3A_912 : memref<1x128xi32, #tpu.memory_space<vmem>> -> memref<128xi32, #tpu.memory_space<vmem>>
    %dma_start3A_914 = arith.constant 0 : i32
    %dma_start3A_915 = arith.constant 0 : i32
    %dma_start3A_916 = tpu.memref_slice %arg3[%dma_start3A_914, %dma_start3A_915] : memref<131072x128xf32, #tpu.memory_space<hbm>> -> memref<131072x128xf32, #tpu.memory_space<hbm>>
    tpu.enqueue_indirect_dma source(%dma_start3A_916 : memref<131072x128xf32, #tpu.memory_space<hbm>>) target(%dma_start3A_910 : memref<128x128xf32, #tpu.memory_space<vmem>>) offsets(%dma_start3A_913 : memref<128xi32, #tpu.memory_space<vmem>>) semaphore(%arg16 : memref<!tpu.dma_semaphore, #tpu.memory_space<semaphore_mem>>)
    %dma_wait3A = arith.constant 0 : i32
    %dma_wait3A_917 = arith.constant 0 : i32
    %dma_wait3A_918 = arith.constant 0 : i32
    %dma_wait3A_919 = arith.constant 0 : i32
    %dma_wait3A_920 = tpu.memref_slice %arg12[%dma_wait3A_917, %dma_wait3A_918, %dma_wait3A_919] : memref<2x128x128xf32, #tpu.memory_space<vmem>> -> memref<1x128x128xf32, #tpu.memory_space<vmem>>
    %dma_wait3A_921 = tpu.memref_squeeze %dma_wait3A_920 : memref<1x128x128xf32, #tpu.memory_space<vmem>> -> memref<128x128xf32, #tpu.memory_space<vmem>>
    %dma_wait3A_922 = arith.constant 0 : i32
    %dma_wait3A_923 = tpu.memref_slice %arg10[%dma_wait3A, %dma_wait3A_922] : memref<4x128xi32, #tpu.memory_space<vmem>> -> memref<1x128xi32, #tpu.memory_space<vmem>>
    %dma_wait3A_924 = tpu.memref_squeeze %dma_wait3A_923 : memref<1x128xi32, #tpu.memory_space<vmem>> -> memref<128xi32, #tpu.memory_space<vmem>>
    %dma_wait3A_925 = arith.constant 0 : i32
    %dma_wait3A_926 = arith.constant 0 : i32
    %dma_wait3A_927 = tpu.memref_slice %arg2[%dma_wait3A_925, %dma_wait3A_926] : memref<131072x128xf32, #tpu.memory_space<hbm>> -> memref<131072x128xf32, #tpu.memory_space<hbm>>
    tpu.wait_indirect_dma semaphore(%arg14 : memref<!tpu.dma_semaphore, #tpu.memory_space<semaphore_mem>>) src(%dma_wait3A_927 : memref<131072x128xf32, #tpu.memory_space<hbm>>) dst(%dma_wait3A_921 : memref<128x128xf32, #tpu.memory_space<vmem>>)
    %dma_wait3A_928 = arith.constant 0 : i32
    %dma_wait3A_929 = arith.constant 0 : i32
    %dma_wait3A_930 = arith.constant 0 : i32
    %dma_wait3A_931 = arith.constant 0 : i32
    %dma_wait3A_932 = tpu.memref_slice %arg13[%dma_wait3A_929, %dma_wait3A_930, %dma_wait3A_931] : memref<2x128x128xf32, #tpu.memory_space<vmem>> -> memref<1x128x128xf32, #tpu.memory_space<vmem>>
    %dma_wait3A_933 = tpu.memref_squeeze %dma_wait3A_932 : memref<1x128x128xf32, #tpu.memory_space<vmem>> -> memref<128x128xf32, #tpu.memory_space<vmem>>
    %dma_wait3A_934 = arith.constant 0 : i32
    %dma_wait3A_935 = tpu.memref_slice %arg11[%dma_wait3A_928, %dma_wait3A_934] : memref<4x128xi32, #tpu.memory_space<vmem>> -> memref<1x128xi32, #tpu.memory_space<vmem>>
    %dma_wait3A_936 = tpu.memref_squeeze %dma_wait3A_935 : memref<1x128xi32, #tpu.memory_space<vmem>> -> memref<128xi32, #tpu.memory_space<vmem>>
    %dma_wait3A_937 = arith.constant 0 : i32
    %dma_wait3A_938 = arith.constant 0 : i32
    %dma_wait3A_939 = tpu.memref_slice %arg3[%dma_wait3A_937, %dma_wait3A_938] : memref<131072x128xf32, #tpu.memory_space<hbm>> -> memref<131072x128xf32, #tpu.memory_space<hbm>>
    tpu.wait_indirect_dma semaphore(%arg16 : memref<!tpu.dma_semaphore, #tpu.memory_space<semaphore_mem>>) src(%dma_wait3A_939 : memref<131072x128xf32, #tpu.memory_space<hbm>>) dst(%dma_wait3A_933 : memref<128x128xf32, #tpu.memory_space<vmem>>)
    %dma_start3A_940 = arith.constant 1 : i32
    %dma_start3A_941 = arith.constant 1 : i32
    %dma_start3A_942 = arith.constant 0 : i32
    %dma_start3A_943 = arith.constant 0 : i32
    %dma_start3A_944 = tpu.memref_slice %arg12[%dma_start3A_941, %dma_start3A_942, %dma_start3A_943] : memref<2x128x128xf32, #tpu.memory_space<vmem>> -> memref<1x128x128xf32, #tpu.memory_space<vmem>>
    %dma_start3A_945 = tpu.memref_squeeze %dma_start3A_944 : memref<1x128x128xf32, #tpu.memory_space<vmem>> -> memref<128x128xf32, #tpu.memory_space<vmem>>
    %dma_start3A_946 = arith.constant 0 : i32
    %dma_start3A_947 = tpu.memref_slice %arg10[%dma_start3A_940, %dma_start3A_946] : memref<4x128xi32, #tpu.memory_space<vmem>> -> memref<1x128xi32, #tpu.memory_space<vmem>>
    %dma_start3A_948 = tpu.memref_squeeze %dma_start3A_947 : memref<1x128xi32, #tpu.memory_space<vmem>> -> memref<128xi32, #tpu.memory_space<vmem>>
    %dma_start3A_949 = arith.constant 0 : i32
    %dma_start3A_950 = arith.constant 0 : i32
    %dma_start3A_951 = tpu.memref_slice %arg2[%dma_start3A_949, %dma_start3A_950] : memref<131072x128xf32, #tpu.memory_space<hbm>> -> memref<131072x128xf32, #tpu.memory_space<hbm>>
    tpu.enqueue_indirect_dma source(%dma_start3A_951 : memref<131072x128xf32, #tpu.memory_space<hbm>>) target(%dma_start3A_945 : memref<128x128xf32, #tpu.memory_space<vmem>>) offsets(%dma_start3A_948 : memref<128xi32, #tpu.memory_space<vmem>>) semaphore(%arg15 : memref<!tpu.dma_semaphore, #tpu.memory_space<semaphore_mem>>)
    %dma_start3A_952 = arith.constant 1 : i32
    %dma_start3A_953 = arith.constant 1 : i32
    %dma_start3A_954 = arith.constant 0 : i32
    %dma_start3A_955 = arith.constant 0 : i32
    %dma_start3A_956 = tpu.memref_slice %arg13[%dma_start3A_953, %dma_start3A_954, %dma_start3A_955] : memref<2x128x128xf32, #tpu.memory_space<vmem>> -> memref<1x128x128xf32, #tpu.memory_space<vmem>>
    %dma_start3A_957 = tpu.memref_squeeze %dma_start3A_956 : memref<1x128x128xf32, #tpu.memory_space<vmem>> -> memref<128x128xf32, #tpu.memory_space<vmem>>
    %dma_start3A_958 = arith.constant 0 : i32
    %dma_start3A_959 = tpu.memref_slice %arg11[%dma_start3A_952, %dma_start3A_958] : memref<4x128xi32, #tpu.memory_space<vmem>> -> memref<1x128xi32, #tpu.memory_space<vmem>>
    %dma_start3A_960 = tpu.memref_squeeze %dma_start3A_959 : memref<1x128xi32, #tpu.memory_space<vmem>> -> memref<128xi32, #tpu.memory_space<vmem>>
    %dma_start3A_961 = arith.constant 0 : i32
    %dma_start3A_962 = arith.constant 0 : i32
    %dma_start3A_963 = tpu.memref_slice %arg3[%dma_start3A_961, %dma_start3A_962] : memref<131072x128xf32, #tpu.memory_space<hbm>> -> memref<131072x128xf32, #tpu.memory_space<hbm>>
    tpu.enqueue_indirect_dma source(%dma_start3A_963 : memref<131072x128xf32, #tpu.memory_space<hbm>>) target(%dma_start3A_957 : memref<128x128xf32, #tpu.memory_space<vmem>>) offsets(%dma_start3A_960 : memref<128xi32, #tpu.memory_space<vmem>>) semaphore(%arg17 : memref<!tpu.dma_semaphore, #tpu.memory_space<semaphore_mem>>)
    %run_scoped3A = arith.constant 0 : i32
    %run_scoped3A_964 = arith.constant 0 : i32
    "tpu.region"() ({
      %run_scoped3A_1099 = tpu.sem_alloc : memref<!tpu.dma_semaphore, #tpu.memory_space<semaphore_mem>>
      %dma_start3A_1100 = arith.constant 0 : i32
      %dma_start3A_1101 = arith.constant 0 : i32
      %dma_start3A_1102 = tpu.memref_slice %arg12[%run_scoped3A, %dma_start3A_1100, %dma_start3A_1101] : memref<2x128x128xf32, #tpu.memory_space<vmem>> -> memref<1x128x128xf32, #tpu.memory_space<vmem>>
      %dma_start3A_1103 = tpu.memref_squeeze %dma_start3A_1102 : memref<1x128x128xf32, #tpu.memory_space<vmem>> -> memref<128x128xf32, #tpu.memory_space<vmem>>
      %dma_start3A_1104 = arith.constant 0 : i32
      %dma_start3A_1105 = arith.constant 0 : i32
      %dma_start3A_1106 = tpu.memref_slice %arg6[%add3A, %run_scoped3A_964, %dma_start3A_1104, %dma_start3A_1105] : memref<32x4x128x128xf32, #tpu.memory_space<hbm>> -> memref<1x1x128x128xf32, #tpu.memory_space<hbm>>
      %dma_start3A_1107 = tpu.memref_squeeze %dma_start3A_1106 : memref<1x1x128x128xf32, #tpu.memory_space<hbm>> -> memref<128x128xf32, #tpu.memory_space<hbm>>
      %dma_start3A_1108 = arith.constant 0 : i32
      %dma_start3A_1109 = arith.constant 0 : i32
      %dma_start3A_1110 = tpu.memref_slice %arg6[%add3A, %run_scoped3A_964, %dma_start3A_1108, %dma_start3A_1109] : memref<32x4x128x128xf32, #tpu.memory_space<hbm>> -> memref<1x1x128x128xf32, #tpu.memory_space<hbm>>
      %dma_start3A_1111 = tpu.memref_squeeze %dma_start3A_1110 : memref<1x1x128x128xf32, #tpu.memory_space<hbm>> -> memref<128x128xf32, #tpu.memory_space<hbm>>
      %dma_start3A_1112 = arith.constant 0 : i32
      %dma_start3A_1113 = arith.constant 0 : i32
      %dma_start3A_1114 = tpu.memref_slice %arg12[%run_scoped3A, %dma_start3A_1112, %dma_start3A_1113] : memref<2x128x128xf32, #tpu.memory_space<vmem>> -> memref<1x128x128xf32, #tpu.memory_space<vmem>>
      %dma_start3A_1115 = tpu.memref_squeeze %dma_start3A_1114 : memref<1x128x128xf32, #tpu.memory_space<vmem>> -> memref<128x128xf32, #tpu.memory_space<vmem>>
      tpu.enqueue_dma source(%dma_start3A_1115 : memref<128x128xf32, #tpu.memory_space<vmem>>) target(%dma_start3A_1111 : memref<128x128xf32, #tpu.memory_space<hbm>>) target_semaphore(%run_scoped3A_1099 : memref<!tpu.dma_semaphore, #tpu.memory_space<semaphore_mem>>)
      %dma_wait3A_1116 = arith.constant 0 : i32
      %dma_wait3A_1117 = arith.constant 0 : i32
      %dma_wait3A_1118 = tpu.memref_slice %arg12[%run_scoped3A, %dma_wait3A_1116, %dma_wait3A_1117] : memref<2x128x128xf32, #tpu.memory_space<vmem>> -> memref<1x128x128xf32, #tpu.memory_space<vmem>>
      %dma_wait3A_1119 = tpu.memref_squeeze %dma_wait3A_1118 : memref<1x128x128xf32, #tpu.memory_space<vmem>> -> memref<128x128xf32, #tpu.memory_space<vmem>>
      %dma_wait3A_1120 = arith.constant 0 : i32
      %dma_wait3A_1121 = arith.constant 0 : i32
      %dma_wait3A_1122 = tpu.memref_slice %arg6[%add3A, %run_scoped3A_964, %dma_wait3A_1120, %dma_wait3A_1121] : memref<32x4x128x128xf32, #tpu.memory_space<hbm>> -> memref<1x1x128x128xf32, #tpu.memory_space<hbm>>
      %dma_wait3A_1123 = tpu.memref_squeeze %dma_wait3A_1122 : memref<1x1x128x128xf32, #tpu.memory_space<hbm>> -> memref<128x128xf32, #tpu.memory_space<hbm>>
      %dma_wait3A_1124 = arith.constant 0 : i32
      %dma_wait3A_1125 = arith.constant 0 : i32
      %dma_wait3A_1126 = tpu.memref_slice %arg6[%add3A, %run_scoped3A_964, %dma_wait3A_1124, %dma_wait3A_1125] : memref<32x4x128x128xf32, #tpu.memory_space<hbm>> -> memref<1x1x128x128xf32, #tpu.memory_space<hbm>>
      %dma_wait3A_1127 = tpu.memref_squeeze %dma_wait3A_1126 : memref<1x1x128x128xf32, #tpu.memory_space<hbm>> -> memref<128x128xf32, #tpu.memory_space<hbm>>
      %dma_wait3A_1128 = arith.constant 0 : i32
      %dma_wait3A_1129 = arith.constant 0 : i32
      %dma_wait3A_1130 = tpu.memref_slice %arg12[%run_scoped3A, %dma_wait3A_1128, %dma_wait3A_1129] : memref<2x128x128xf32, #tpu.memory_space<vmem>> -> memref<1x128x128xf32, #tpu.memory_space<vmem>>
      %dma_wait3A_1131 = tpu.memref_squeeze %dma_wait3A_1130 : memref<1x128x128xf32, #tpu.memory_space<vmem>> -> memref<128x128xf32, #tpu.memory_space<vmem>>
      tpu.wait_dma2 semaphore(%run_scoped3A_1099 : memref<!tpu.dma_semaphore, #tpu.memory_space<semaphore_mem>>) src(%dma_wait3A_1131 : memref<128x128xf32, #tpu.memory_space<vmem>>) dst(%dma_wait3A_1127 : memref<128x128xf32, #tpu.memory_space<hbm>>)
      tpu.yield
    }) : () -> ()
    %run_scoped3A_965 = arith.constant 0 : i32
    %run_scoped3A_966 = arith.constant 0 : i32
    "tpu.region"() ({
      %run_scoped3A_1099 = tpu.sem_alloc : memref<!tpu.dma_semaphore, #tpu.memory_space<semaphore_mem>>
      %dma_start3A_1100 = arith.constant 0 : i32
      %dma_start3A_1101 = arith.constant 0 : i32
      %dma_start3A_1102 = tpu.memref_slice %arg13[%run_scoped3A_965, %dma_start3A_1100, %dma_start3A_1101] : memref<2x128x128xf32, #tpu.memory_space<vmem>> -> memref<1x128x128xf32, #tpu.memory_space<vmem>>
      %dma_start3A_1103 = tpu.memref_squeeze %dma_start3A_1102 : memref<1x128x128xf32, #tpu.memory_space<vmem>> -> memref<128x128xf32, #tpu.memory_space<vmem>>
      %dma_start3A_1104 = arith.constant 0 : i32
      %dma_start3A_1105 = arith.constant 0 : i32
      %dma_start3A_1106 = tpu.memref_slice %arg7[%add3A, %run_scoped3A_966, %dma_start3A_1104, %dma_start3A_1105] : memref<32x4x128x128xf32, #tpu.memory_space<hbm>> -> memref<1x1x128x128xf32, #tpu.memory_space<hbm>>
      %dma_start3A_1107 = tpu.memref_squeeze %dma_start3A_1106 : memref<1x1x128x128xf32, #tpu.memory_space<hbm>> -> memref<128x128xf32, #tpu.memory_space<hbm>>
      %dma_start3A_1108 = arith.constant 0 : i32
      %dma_start3A_1109 = arith.constant 0 : i32
      %dma_start3A_1110 = tpu.memref_slice %arg7[%add3A, %run_scoped3A_966, %dma_start3A_1108, %dma_start3A_1109] : memref<32x4x128x128xf32, #tpu.memory_space<hbm>> -> memref<1x1x128x128xf32, #tpu.memory_space<hbm>>
      %dma_start3A_1111 = tpu.memref_squeeze %dma_start3A_1110 : memref<1x1x128x128xf32, #tpu.memory_space<hbm>> -> memref<128x128xf32, #tpu.memory_space<hbm>>
      %dma_start3A_1112 = arith.constant 0 : i32
      %dma_start3A_1113 = arith.constant 0 : i32
      %dma_start3A_1114 = tpu.memref_slice %arg13[%run_scoped3A_965, %dma_start3A_1112, %dma_start3A_1113] : memref<2x128x128xf32, #tpu.memory_space<vmem>> -> memref<1x128x128xf32, #tpu.memory_space<vmem>>
      %dma_start3A_1115 = tpu.memref_squeeze %dma_start3A_1114 : memref<1x128x128xf32, #tpu.memory_space<vmem>> -> memref<128x128xf32, #tpu.memory_space<vmem>>
      tpu.enqueue_dma source(%dma_start3A_1115 : memref<128x128xf32, #tpu.memory_space<vmem>>) target(%dma_start3A_1111 : memref<128x128xf32, #tpu.memory_space<hbm>>) target_semaphore(%run_scoped3A_1099 : memref<!tpu.dma_semaphore, #tpu.memory_space<semaphore_mem>>)
      %dma_wait3A_1116 = arith.constant 0 : i32
      %dma_wait3A_1117 = arith.constant 0 : i32
      %dma_wait3A_1118 = tpu.memref_slice %arg13[%run_scoped3A_965, %dma_wait3A_1116, %dma_wait3A_1117] : memref<2x128x128xf32, #tpu.memory_space<vmem>> -> memref<1x128x128xf32, #tpu.memory_space<vmem>>
      %dma_wait3A_1119 = tpu.memref_squeeze %dma_wait3A_1118 : memref<1x128x128xf32, #tpu.memory_space<vmem>> -> memref<128x128xf32, #tpu.memory_space<vmem>>
      %dma_wait3A_1120 = arith.constant 0 : i32
      %dma_wait3A_1121 = arith.constant 0 : i32
      %dma_wait3A_1122 = tpu.memref_slice %arg7[%add3A, %run_scoped3A_966, %dma_wait3A_1120, %dma_wait3A_1121] : memref<32x4x128x128xf32, #tpu.memory_space<hbm>> -> memref<1x1x128x128xf32, #tpu.memory_space<hbm>>
      %dma_wait3A_1123 = tpu.memref_squeeze %dma_wait3A_1122 : memref<1x1x128x128xf32, #tpu.memory_space<hbm>> -> memref<128x128xf32, #tpu.memory_space<hbm>>
      %dma_wait3A_1124 = arith.constant 0 : i32
      %dma_wait3A_1125 = arith.constant 0 : i32
      %dma_wait3A_1126 = tpu.memref_slice %arg7[%add3A, %run_scoped3A_966, %dma_wait3A_1124, %dma_wait3A_1125] : memref<32x4x128x128xf32, #tpu.memory_space<hbm>> -> memref<1x1x128x128xf32, #tpu.memory_space<hbm>>
      %dma_wait3A_1127 = tpu.memref_squeeze %dma_wait3A_1126 : memref<1x1x128x128xf32, #tpu.memory_space<hbm>> -> memref<128x128xf32, #tpu.memory_space<hbm>>
      %dma_wait3A_1128 = arith.constant 0 : i32
      %dma_wait3A_1129 = arith.constant 0 : i32
      %dma_wait3A_1130 = tpu.memref_slice %arg13[%run_scoped3A_965, %dma_wait3A_1128, %dma_wait3A_1129] : memref<2x128x128xf32, #tpu.memory_space<vmem>> -> memref<1x128x128xf32, #tpu.memory_space<vmem>>
      %dma_wait3A_1131 = tpu.memref_squeeze %dma_wait3A_1130 : memref<1x128x128xf32, #tpu.memory_space<vmem>> -> memref<128x128xf32, #tpu.memory_space<vmem>>
      tpu.wait_dma2 semaphore(%run_scoped3A_1099 : memref<!tpu.dma_semaphore, #tpu.memory_space<semaphore_mem>>) src(%dma_wait3A_1131 : memref<128x128xf32, #tpu.memory_space<vmem>>) dst(%dma_wait3A_1127 : memref<128x128xf32, #tpu.memory_space<hbm>>)
      tpu.yield
    }) : () -> ()
    %dma_wait3A_967 = arith.constant 1 : i32
    %dma_wait3A_968 = arith.constant 1 : i32
    %dma_wait3A_969 = arith.constant 0 : i32
    %dma_wait3A_970 = arith.constant 0 : i32
    %dma_wait3A_971 = tpu.memref_slice %arg12[%dma_wait3A_968, %dma_wait3A_969, %dma_wait3A_970] : memref<2x128x128xf32, #tpu.memory_space<vmem>> -> memref<1x128x128xf32, #tpu.memory_space<vmem>>
    %dma_wait3A_972 = tpu.memref_squeeze %dma_wait3A_971 : memref<1x128x128xf32, #tpu.memory_space<vmem>> -> memref<128x128xf32, #tpu.memory_space<vmem>>
    %dma_wait3A_973 = arith.constant 0 : i32
    %dma_wait3A_974 = tpu.memref_slice %arg10[%dma_wait3A_967, %dma_wait3A_973] : memref<4x128xi32, #tpu.memory_space<vmem>> -> memref<1x128xi32, #tpu.memory_space<vmem>>
    %dma_wait3A_975 = tpu.memref_squeeze %dma_wait3A_974 : memref<1x128xi32, #tpu.memory_space<vmem>> -> memref<128xi32, #tpu.memory_space<vmem>>
    %dma_wait3A_976 = arith.constant 0 : i32
    %dma_wait3A_977 = arith.constant 0 : i32
    %dma_wait3A_978 = tpu.memref_slice %arg2[%dma_wait3A_976, %dma_wait3A_977] : memref<131072x128xf32, #tpu.memory_space<hbm>> -> memref<131072x128xf32, #tpu.memory_space<hbm>>
    tpu.wait_indirect_dma semaphore(%arg15 : memref<!tpu.dma_semaphore, #tpu.memory_space<semaphore_mem>>) src(%dma_wait3A_978 : memref<131072x128xf32, #tpu.memory_space<hbm>>) dst(%dma_wait3A_972 : memref<128x128xf32, #tpu.memory_space<vmem>>)
    %dma_wait3A_979 = arith.constant 1 : i32
    %dma_wait3A_980 = arith.constant 1 : i32
    %dma_wait3A_981 = arith.constant 0 : i32
    %dma_wait3A_982 = arith.constant 0 : i32
    %dma_wait3A_983 = tpu.memref_slice %arg13[%dma_wait3A_980, %dma_wait3A_981, %dma_wait3A_982] : memref<2x128x128xf32, #tpu.memory_space<vmem>> -> memref<1x128x128xf32, #tpu.memory_space<vmem>>
    %dma_wait3A_984 = tpu.memref_squeeze %dma_wait3A_983 : memref<1x128x128xf32, #tpu.memory_space<vmem>> -> memref<128x128xf32, #tpu.memory_space<vmem>>
    %dma_wait3A_985 = arith.constant 0 : i32
    %dma_wait3A_986 = tpu.memref_slice %arg11[%dma_wait3A_979, %dma_wait3A_985] : memref<4x128xi32, #tpu.memory_space<vmem>> -> memref<1x128xi32, #tpu.memory_space<vmem>>
    %dma_wait3A_987 = tpu.memref_squeeze %dma_wait3A_986 : memref<1x128xi32, #tpu.memory_space<vmem>> -> memref<128xi32, #tpu.memory_space<vmem>>
    %dma_wait3A_988 = arith.constant 0 : i32
    %dma_wait3A_989 = arith.constant 0 : i32
    %dma_wait3A_990 = tpu.memref_slice %arg3[%dma_wait3A_988, %dma_wait3A_989] : memref<131072x128xf32, #tpu.memory_space<hbm>> -> memref<131072x128xf32, #tpu.memory_space<hbm>>
    tpu.wait_indirect_dma semaphore(%arg17 : memref<!tpu.dma_semaphore, #tpu.memory_space<semaphore_mem>>) src(%dma_wait3A_990 : memref<131072x128xf32, #tpu.memory_space<hbm>>) dst(%dma_wait3A_984 : memref<128x128xf32, #tpu.memory_space<vmem>>)
    %dma_start3A_991 = arith.constant 2 : i32
    %dma_start3A_992 = arith.constant 0 : i32
    %dma_start3A_993 = arith.constant 0 : i32
    %dma_start3A_994 = arith.constant 0 : i32
    %dma_start3A_995 = tpu.memref_slice %arg12[%dma_start3A_992, %dma_start3A_993, %dma_start3A_994] : memref<2x128x128xf32, #tpu.memory_space<vmem>> -> memref<1x128x128xf32, #tpu.memory_space<vmem>>
    %dma_start3A_996 = tpu.memref_squeeze %dma_start3A_995 : memref<1x128x128xf32, #tpu.memory_space<vmem>> -> memref<128x128xf32, #tpu.memory_space<vmem>>
    %dma_start3A_997 = arith.constant 0 : i32
    %dma_start3A_998 = tpu.memref_slice %arg10[%dma_start3A_991, %dma_start3A_997] : memref<4x128xi32, #tpu.memory_space<vmem>> -> memref<1x128xi32, #tpu.memory_space<vmem>>
    %dma_start3A_999 = tpu.memref_squeeze %dma_start3A_998 : memref<1x128xi32, #tpu.memory_space<vmem>> -> memref<128xi32, #tpu.memory_space<vmem>>
    %dma_start3A_1000 = arith.constant 0 : i32
    %dma_start3A_1001 = arith.constant 0 : i32
    %dma_start3A_1002 = tpu.memref_slice %arg2[%dma_start3A_1000, %dma_start3A_1001] : memref<131072x128xf32, #tpu.memory_space<hbm>> -> memref<131072x128xf32, #tpu.memory_space<hbm>>
    tpu.enqueue_indirect_dma source(%dma_start3A_1002 : memref<131072x128xf32, #tpu.memory_space<hbm>>) target(%dma_start3A_996 : memref<128x128xf32, #tpu.memory_space<vmem>>) offsets(%dma_start3A_999 : memref<128xi32, #tpu.memory_space<vmem>>) semaphore(%arg14 : memref<!tpu.dma_semaphore, #tpu.memory_space<semaphore_mem>>)
    %dma_start3A_1003 = arith.constant 2 : i32
    %dma_start3A_1004 = arith.constant 0 : i32
    %dma_start3A_1005 = arith.constant 0 : i32
    %dma_start3A_1006 = arith.constant 0 : i32
    %dma_start3A_1007 = tpu.memref_slice %arg13[%dma_start3A_1004, %dma_start3A_1005, %dma_start3A_1006] : memref<2x128x128xf32, #tpu.memory_space<vmem>> -> memref<1x128x128xf32, #tpu.memory_space<vmem>>
    %dma_start3A_1008 = tpu.memref_squeeze %dma_start3A_1007 : memref<1x128x128xf32, #tpu.memory_space<vmem>> -> memref<128x128xf32, #tpu.memory_space<vmem>>
    %dma_start3A_1009 = arith.constant 0 : i32
    %dma_start3A_1010 = tpu.memref_slice %arg11[%dma_start3A_1003, %dma_start3A_1009] : memref<4x128xi32, #tpu.memory_space<vmem>> -> memref<1x128xi32, #tpu.memory_space<vmem>>
    %dma_start3A_1011 = tpu.memref_squeeze %dma_start3A_1010 : memref<1x128xi32, #tpu.memory_space<vmem>> -> memref<128xi32, #tpu.memory_space<vmem>>
    %dma_start3A_1012 = arith.constant 0 : i32
    %dma_start3A_1013 = arith.constant 0 : i32
    %dma_start3A_1014 = tpu.memref_slice %arg3[%dma_start3A_1012, %dma_start3A_1013] : memref<131072x128xf32, #tpu.memory_space<hbm>> -> memref<131072x128xf32, #tpu.memory_space<hbm>>
    tpu.enqueue_indirect_dma source(%dma_start3A_1014 : memref<131072x128xf32, #tpu.memory_space<hbm>>) target(%dma_start3A_1008 : memref<128x128xf32, #tpu.memory_space<vmem>>) offsets(%dma_start3A_1011 : memref<128xi32, #tpu.memory_space<vmem>>) semaphore(%arg16 : memref<!tpu.dma_semaphore, #tpu.memory_space<semaphore_mem>>)
    %run_scoped3A_1015 = arith.constant 1 : i32
    %run_scoped3A_1016 = arith.constant 1 : i32
    "tpu.region"() ({
      %run_scoped3A_1099 = tpu.sem_alloc : memref<!tpu.dma_semaphore, #tpu.memory_space<semaphore_mem>>
      %dma_start3A_1100 = arith.constant 0 : i32
      %dma_start3A_1101 = arith.constant 0 : i32
      %dma_start3A_1102 = tpu.memref_slice %arg12[%run_scoped3A_1015, %dma_start3A_1100, %dma_start3A_1101] : memref<2x128x128xf32, #tpu.memory_space<vmem>> -> memref<1x128x128xf32, #tpu.memory_space<vmem>>
      %dma_start3A_1103 = tpu.memref_squeeze %dma_start3A_1102 : memref<1x128x128xf32, #tpu.memory_space<vmem>> -> memref<128x128xf32, #tpu.memory_space<vmem>>
      %dma_start3A_1104 = arith.constant 0 : i32
      %dma_start3A_1105 = arith.constant 0 : i32
      %dma_start3A_1106 = tpu.memref_slice %arg6[%add3A, %run_scoped3A_1016, %dma_start3A_1104, %dma_start3A_1105] : memref<32x4x128x128xf32, #tpu.memory_space<hbm>> -> memref<1x1x128x128xf32, #tpu.memory_space<hbm>>
      %dma_start3A_1107 = tpu.memref_squeeze %dma_start3A_1106 : memref<1x1x128x128xf32, #tpu.memory_space<hbm>> -> memref<128x128xf32, #tpu.memory_space<hbm>>
      %dma_start3A_1108 = arith.constant 0 : i32
      %dma_start3A_1109 = arith.constant 0 : i32
      %dma_start3A_1110 = tpu.memref_slice %arg6[%add3A, %run_scoped3A_1016, %dma_start3A_1108, %dma_start3A_1109] : memref<32x4x128x128xf32, #tpu.memory_space<hbm>> -> memref<1x1x128x128xf32, #tpu.memory_space<hbm>>
      %dma_start3A_1111 = tpu.memref_squeeze %dma_start3A_1110 : memref<1x1x128x128xf32, #tpu.memory_space<hbm>> -> memref<128x128xf32, #tpu.memory_space<hbm>>
      %dma_start3A_1112 = arith.constant 0 : i32
      %dma_start3A_1113 = arith.constant 0 : i32
      %dma_start3A_1114 = tpu.memref_slice %arg12[%run_scoped3A_1015, %dma_start3A_1112, %dma_start3A_1113] : memref<2x128x128xf32, #tpu.memory_space<vmem>> -> memref<1x128x128xf32, #tpu.memory_space<vmem>>
      %dma_start3A_1115 = tpu.memref_squeeze %dma_start3A_1114 : memref<1x128x128xf32, #tpu.memory_space<vmem>> -> memref<128x128xf32, #tpu.memory_space<vmem>>
      tpu.enqueue_dma source(%dma_start3A_1115 : memref<128x128xf32, #tpu.memory_space<vmem>>) target(%dma_start3A_1111 : memref<128x128xf32, #tpu.memory_space<hbm>>) target_semaphore(%run_scoped3A_1099 : memref<!tpu.dma_semaphore, #tpu.memory_space<semaphore_mem>>)
      %dma_wait3A_1116 = arith.constant 0 : i32
      %dma_wait3A_1117 = arith.constant 0 : i32
      %dma_wait3A_1118 = tpu.memref_slice %arg12[%run_scoped3A_1015, %dma_wait3A_1116, %dma_wait3A_1117] : memref<2x128x128xf32, #tpu.memory_space<vmem>> -> memref<1x128x128xf32, #tpu.memory_space<vmem>>
      %dma_wait3A_1119 = tpu.memref_squeeze %dma_wait3A_1118 : memref<1x128x128xf32, #tpu.memory_space<vmem>> -> memref<128x128xf32, #tpu.memory_space<vmem>>
      %dma_wait3A_1120 = arith.constant 0 : i32
      %dma_wait3A_1121 = arith.constant 0 : i32
      %dma_wait3A_1122 = tpu.memref_slice %arg6[%add3A, %run_scoped3A_1016, %dma_wait3A_1120, %dma_wait3A_1121] : memref<32x4x128x128xf32, #tpu.memory_space<hbm>> -> memref<1x1x128x128xf32, #tpu.memory_space<hbm>>
      %dma_wait3A_1123 = tpu.memref_squeeze %dma_wait3A_1122 : memref<1x1x128x128xf32, #tpu.memory_space<hbm>> -> memref<128x128xf32, #tpu.memory_space<hbm>>
      %dma_wait3A_1124 = arith.constant 0 : i32
      %dma_wait3A_1125 = arith.constant 0 : i32
      %dma_wait3A_1126 = tpu.memref_slice %arg6[%add3A, %run_scoped3A_1016, %dma_wait3A_1124, %dma_wait3A_1125] : memref<32x4x128x128xf32, #tpu.memory_space<hbm>> -> memref<1x1x128x128xf32, #tpu.memory_space<hbm>>
      %dma_wait3A_1127 = tpu.memref_squeeze %dma_wait3A_1126 : memref<1x1x128x128xf32, #tpu.memory_space<hbm>> -> memref<128x128xf32, #tpu.memory_space<hbm>>
      %dma_wait3A_1128 = arith.constant 0 : i32
      %dma_wait3A_1129 = arith.constant 0 : i32
      %dma_wait3A_1130 = tpu.memref_slice %arg12[%run_scoped3A_1015, %dma_wait3A_1128, %dma_wait3A_1129] : memref<2x128x128xf32, #tpu.memory_space<vmem>> -> memref<1x128x128xf32, #tpu.memory_space<vmem>>
      %dma_wait3A_1131 = tpu.memref_squeeze %dma_wait3A_1130 : memref<1x128x128xf32, #tpu.memory_space<vmem>> -> memref<128x128xf32, #tpu.memory_space<vmem>>
      tpu.wait_dma2 semaphore(%run_scoped3A_1099 : memref<!tpu.dma_semaphore, #tpu.memory_space<semaphore_mem>>) src(%dma_wait3A_1131 : memref<128x128xf32, #tpu.memory_space<vmem>>) dst(%dma_wait3A_1127 : memref<128x128xf32, #tpu.memory_space<hbm>>)
      tpu.yield
    }) : () -> ()
    %run_scoped3A_1017 = arith.constant 1 : i32
    %run_scoped3A_1018 = arith.constant 1 : i32
    "tpu.region"() ({
      %run_scoped3A_1099 = tpu.sem_alloc : memref<!tpu.dma_semaphore, #tpu.memory_space<semaphore_mem>>
      %dma_start3A_1100 = arith.constant 0 : i32
      %dma_start3A_1101 = arith.constant 0 : i32
      %dma_start3A_1102 = tpu.memref_slice %arg13[%run_scoped3A_1017, %dma_start3A_1100, %dma_start3A_1101] : memref<2x128x128xf32, #tpu.memory_space<vmem>> -> memref<1x128x128xf32, #tpu.memory_space<vmem>>
      %dma_start3A_1103 = tpu.memref_squeeze %dma_start3A_1102 : memref<1x128x128xf32, #tpu.memory_space<vmem>> -> memref<128x128xf32, #tpu.memory_space<vmem>>
      %dma_start3A_1104 = arith.constant 0 : i32
      %dma_start3A_1105 = arith.constant 0 : i32
      %dma_start3A_1106 = tpu.memref_slice %arg7[%add3A, %run_scoped3A_1018, %dma_start3A_1104, %dma_start3A_1105] : memref<32x4x128x128xf32, #tpu.memory_space<hbm>> -> memref<1x1x128x128xf32, #tpu.memory_space<hbm>>
      %dma_start3A_1107 = tpu.memref_squeeze %dma_start3A_1106 : memref<1x1x128x128xf32, #tpu.memory_space<hbm>> -> memref<128x128xf32, #tpu.memory_space<hbm>>
      %dma_start3A_1108 = arith.constant 0 : i32
      %dma_start3A_1109 = arith.constant 0 : i32
      %dma_start3A_1110 = tpu.memref_slice %arg7[%add3A, %run_scoped3A_1018, %dma_start3A_1108, %dma_start3A_1109] : memref<32x4x128x128xf32, #tpu.memory_space<hbm>> -> memref<1x1x128x128xf32, #tpu.memory_space<hbm>>
      %dma_start3A_1111 = tpu.memref_squeeze %dma_start3A_1110 : memref<1x1x128x128xf32, #tpu.memory_space<hbm>> -> memref<128x128xf32, #tpu.memory_space<hbm>>
      %dma_start3A_1112 = arith.constant 0 : i32
      %dma_start3A_1113 = arith.constant 0 : i32
      %dma_start3A_1114 = tpu.memref_slice %arg13[%run_scoped3A_1017, %dma_start3A_1112, %dma_start3A_1113] : memref<2x128x128xf32, #tpu.memory_space<vmem>> -> memref<1x128x128xf32, #tpu.memory_space<vmem>>
      %dma_start3A_1115 = tpu.memref_squeeze %dma_start3A_1114 : memref<1x128x128xf32, #tpu.memory_space<vmem>> -> memref<128x128xf32, #tpu.memory_space<vmem>>
      tpu.enqueue_dma source(%dma_start3A_1115 : memref<128x128xf32, #tpu.memory_space<vmem>>) target(%dma_start3A_1111 : memref<128x128xf32, #tpu.memory_space<hbm>>) target_semaphore(%run_scoped3A_1099 : memref<!tpu.dma_semaphore, #tpu.memory_space<semaphore_mem>>)
      %dma_wait3A_1116 = arith.constant 0 : i32
      %dma_wait3A_1117 = arith.constant 0 : i32
      %dma_wait3A_1118 = tpu.memref_slice %arg13[%run_scoped3A_1017, %dma_wait3A_1116, %dma_wait3A_1117] : memref<2x128x128xf32, #tpu.memory_space<vmem>> -> memref<1x128x128xf32, #tpu.memory_space<vmem>>
      %dma_wait3A_1119 = tpu.memref_squeeze %dma_wait3A_1118 : memref<1x128x128xf32, #tpu.memory_space<vmem>> -> memref<128x128xf32, #tpu.memory_space<vmem>>
      %dma_wait3A_1120 = arith.constant 0 : i32
      %dma_wait3A_1121 = arith.constant 0 : i32
      %dma_wait3A_1122 = tpu.memref_slice %arg7[%add3A, %run_scoped3A_1018, %dma_wait3A_1120, %dma_wait3A_1121] : memref<32x4x128x128xf32, #tpu.memory_space<hbm>> -> memref<1x1x128x128xf32, #tpu.memory_space<hbm>>
      %dma_wait3A_1123 = tpu.memref_squeeze %dma_wait3A_1122 : memref<1x1x128x128xf32, #tpu.memory_space<hbm>> -> memref<128x128xf32, #tpu.memory_space<hbm>>
      %dma_wait3A_1124 = arith.constant 0 : i32
      %dma_wait3A_1125 = arith.constant 0 : i32
      %dma_wait3A_1126 = tpu.memref_slice %arg7[%add3A, %run_scoped3A_1018, %dma_wait3A_1124, %dma_wait3A_1125] : memref<32x4x128x128xf32, #tpu.memory_space<hbm>> -> memref<1x1x128x128xf32, #tpu.memory_space<hbm>>
      %dma_wait3A_1127 = tpu.memref_squeeze %dma_wait3A_1126 : memref<1x1x128x128xf32, #tpu.memory_space<hbm>> -> memref<128x128xf32, #tpu.memory_space<hbm>>
      %dma_wait3A_1128 = arith.constant 0 : i32
      %dma_wait3A_1129 = arith.constant 0 : i32
      %dma_wait3A_1130 = tpu.memref_slice %arg13[%run_scoped3A_1017, %dma_wait3A_1128, %dma_wait3A_1129] : memref<2x128x128xf32, #tpu.memory_space<vmem>> -> memref<1x128x128xf32, #tpu.memory_space<vmem>>
      %dma_wait3A_1131 = tpu.memref_squeeze %dma_wait3A_1130 : memref<1x128x128xf32, #tpu.memory_space<vmem>> -> memref<128x128xf32, #tpu.memory_space<vmem>>
      tpu.wait_dma2 semaphore(%run_scoped3A_1099 : memref<!tpu.dma_semaphore, #tpu.memory_space<semaphore_mem>>) src(%dma_wait3A_1131 : memref<128x128xf32, #tpu.memory_space<vmem>>) dst(%dma_wait3A_1127 : memref<128x128xf32, #tpu.memory_space<hbm>>)
      tpu.yield
    }) : () -> ()
    %dma_wait3A_1019 = arith.constant 2 : i32
    %dma_wait3A_1020 = arith.constant 0 : i32
    %dma_wait3A_1021 = arith.constant 0 : i32
    %dma_wait3A_1022 = arith.constant 0 : i32
    %dma_wait3A_1023 = tpu.memref_slice %arg12[%dma_wait3A_1020, %dma_wait3A_1021, %dma_wait3A_1022] : memref<2x128x128xf32, #tpu.memory_space<vmem>> -> memref<1x128x128xf32, #tpu.memory_space<vmem>>
    %dma_wait3A_1024 = tpu.memref_squeeze %dma_wait3A_1023 : memref<1x128x128xf32, #tpu.memory_space<vmem>> -> memref<128x128xf32, #tpu.memory_space<vmem>>
    %dma_wait3A_1025 = arith.constant 0 : i32
    %dma_wait3A_1026 = tpu.memref_slice %arg10[%dma_wait3A_1019, %dma_wait3A_1025] : memref<4x128xi32, #tpu.memory_space<vmem>> -> memref<1x128xi32, #tpu.memory_space<vmem>>
    %dma_wait3A_1027 = tpu.memref_squeeze %dma_wait3A_1026 : memref<1x128xi32, #tpu.memory_space<vmem>> -> memref<128xi32, #tpu.memory_space<vmem>>
    %dma_wait3A_1028 = arith.constant 0 : i32
    %dma_wait3A_1029 = arith.constant 0 : i32
    %dma_wait3A_1030 = tpu.memref_slice %arg2[%dma_wait3A_1028, %dma_wait3A_1029] : memref<131072x128xf32, #tpu.memory_space<hbm>> -> memref<131072x128xf32, #tpu.memory_space<hbm>>
    tpu.wait_indirect_dma semaphore(%arg14 : memref<!tpu.dma_semaphore, #tpu.memory_space<semaphore_mem>>) src(%dma_wait3A_1030 : memref<131072x128xf32, #tpu.memory_space<hbm>>) dst(%dma_wait3A_1024 : memref<128x128xf32, #tpu.memory_space<vmem>>)
    %dma_wait3A_1031 = arith.constant 2 : i32
    %dma_wait3A_1032 = arith.constant 0 : i32
    %dma_wait3A_1033 = arith.constant 0 : i32
    %dma_wait3A_1034 = arith.constant 0 : i32
    %dma_wait3A_1035 = tpu.memref_slice %arg13[%dma_wait3A_1032, %dma_wait3A_1033, %dma_wait3A_1034] : memref<2x128x128xf32, #tpu.memory_space<vmem>> -> memref<1x128x128xf32, #tpu.memory_space<vmem>>
    %dma_wait3A_1036 = tpu.memref_squeeze %dma_wait3A_1035 : memref<1x128x128xf32, #tpu.memory_space<vmem>> -> memref<128x128xf32, #tpu.memory_space<vmem>>
    %dma_wait3A_1037 = arith.constant 0 : i32
    %dma_wait3A_1038 = tpu.memref_slice %arg11[%dma_wait3A_1031, %dma_wait3A_1037] : memref<4x128xi32, #tpu.memory_space<vmem>> -> memref<1x128xi32, #tpu.memory_space<vmem>>
    %dma_wait3A_1039 = tpu.memref_squeeze %dma_wait3A_1038 : memref<1x128xi32, #tpu.memory_space<vmem>> -> memref<128xi32, #tpu.memory_space<vmem>>
    %dma_wait3A_1040 = arith.constant 0 : i32
    %dma_wait3A_1041 = arith.constant 0 : i32
    %dma_wait3A_1042 = tpu.memref_slice %arg3[%dma_wait3A_1040, %dma_wait3A_1041] : memref<131072x128xf32, #tpu.memory_space<hbm>> -> memref<131072x128xf32, #tpu.memory_space<hbm>>
    tpu.wait_indirect_dma semaphore(%arg16 : memref<!tpu.dma_semaphore, #tpu.memory_space<semaphore_mem>>) src(%dma_wait3A_1042 : memref<131072x128xf32, #tpu.memory_space<hbm>>) dst(%dma_wait3A_1036 : memref<128x128xf32, #tpu.memory_space<vmem>>)
    %dma_start3A_1043 = arith.constant 3 : i32
    %dma_start3A_1044 = arith.constant 1 : i32
    %dma_start3A_1045 = arith.constant 0 : i32
    %dma_start3A_1046 = arith.constant 0 : i32
    %dma_start3A_1047 = tpu.memref_slice %arg12[%dma_start3A_1044, %dma_start3A_1045, %dma_start3A_1046] : memref<2x128x128xf32, #tpu.memory_space<vmem>> -> memref<1x128x128xf32, #tpu.memory_space<vmem>>
    %dma_start3A_1048 = tpu.memref_squeeze %dma_start3A_1047 : memref<1x128x128xf32, #tpu.memory_space<vmem>> -> memref<128x128xf32, #tpu.memory_space<vmem>>
    %dma_start3A_1049 = arith.constant 0 : i32
    %dma_start3A_1050 = tpu.memref_slice %arg10[%dma_start3A_1043, %dma_start3A_1049] : memref<4x128xi32, #tpu.memory_space<vmem>> -> memref<1x128xi32, #tpu.memory_space<vmem>>
    %dma_start3A_1051 = tpu.memref_squeeze %dma_start3A_1050 : memref<1x128xi32, #tpu.memory_space<vmem>> -> memref<128xi32, #tpu.memory_space<vmem>>
    %dma_start3A_1052 = arith.constant 0 : i32
    %dma_start3A_1053 = arith.constant 0 : i32
    %dma_start3A_1054 = tpu.memref_slice %arg2[%dma_start3A_1052, %dma_start3A_1053] : memref<131072x128xf32, #tpu.memory_space<hbm>> -> memref<131072x128xf32, #tpu.memory_space<hbm>>
    tpu.enqueue_indirect_dma source(%dma_start3A_1054 : memref<131072x128xf32, #tpu.memory_space<hbm>>) target(%dma_start3A_1048 : memref<128x128xf32, #tpu.memory_space<vmem>>) offsets(%dma_start3A_1051 : memref<128xi32, #tpu.memory_space<vmem>>) semaphore(%arg15 : memref<!tpu.dma_semaphore, #tpu.memory_space<semaphore_mem>>)
    %dma_start3A_1055 = arith.constant 3 : i32
    %dma_start3A_1056 = arith.constant 1 : i32
    %dma_start3A_1057 = arith.constant 0 : i32
    %dma_start3A_1058 = arith.constant 0 : i32
    %dma_start3A_1059 = tpu.memref_slice %arg13[%dma_start3A_1056, %dma_start3A_1057, %dma_start3A_1058] : memref<2x128x128xf32, #tpu.memory_space<vmem>> -> memref<1x128x128xf32, #tpu.memory_space<vmem>>
    %dma_start3A_1060 = tpu.memref_squeeze %dma_start3A_1059 : memref<1x128x128xf32, #tpu.memory_space<vmem>> -> memref<128x128xf32, #tpu.memory_space<vmem>>
    %dma_start3A_1061 = arith.constant 0 : i32
    %dma_start3A_1062 = tpu.memref_slice %arg11[%dma_start3A_1055, %dma_start3A_1061] : memref<4x128xi32, #tpu.memory_space<vmem>> -> memref<1x128xi32, #tpu.memory_space<vmem>>
    %dma_start3A_1063 = tpu.memref_squeeze %dma_start3A_1062 : memref<1x128xi32, #tpu.memory_space<vmem>> -> memref<128xi32, #tpu.memory_space<vmem>>
    %dma_start3A_1064 = arith.constant 0 : i32
    %dma_start3A_1065 = arith.constant 0 : i32
    %dma_start3A_1066 = tpu.memref_slice %arg3[%dma_start3A_1064, %dma_start3A_1065] : memref<131072x128xf32, #tpu.memory_space<hbm>> -> memref<131072x128xf32, #tpu.memory_space<hbm>>
    tpu.enqueue_indirect_dma source(%dma_start3A_1066 : memref<131072x128xf32, #tpu.memory_space<hbm>>) target(%dma_start3A_1060 : memref<128x128xf32, #tpu.memory_space<vmem>>) offsets(%dma_start3A_1063 : memref<128xi32, #tpu.memory_space<vmem>>) semaphore(%arg17 : memref<!tpu.dma_semaphore, #tpu.memory_space<semaphore_mem>>)
    %run_scoped3A_1067 = arith.constant 0 : i32
    %run_scoped3A_1068 = arith.constant 2 : i32
    "tpu.region"() ({
      %run_scoped3A_1099 = tpu.sem_alloc : memref<!tpu.dma_semaphore, #tpu.memory_space<semaphore_mem>>
      %dma_start3A_1100 = arith.constant 0 : i32
      %dma_start3A_1101 = arith.constant 0 : i32
      %dma_start3A_1102 = tpu.memref_slice %arg12[%run_scoped3A_1067, %dma_start3A_1100, %dma_start3A_1101] : memref<2x128x128xf32, #tpu.memory_space<vmem>> -> memref<1x128x128xf32, #tpu.memory_space<vmem>>
      %dma_start3A_1103 = tpu.memref_squeeze %dma_start3A_1102 : memref<1x128x128xf32, #tpu.memory_space<vmem>> -> memref<128x128xf32, #tpu.memory_space<vmem>>
      %dma_start3A_1104 = arith.constant 0 : i32
      %dma_start3A_1105 = arith.constant 0 : i32
      %dma_start3A_1106 = tpu.memref_slice %arg6[%add3A, %run_scoped3A_1068, %dma_start3A_1104, %dma_start3A_1105] : memref<32x4x128x128xf32, #tpu.memory_space<hbm>> -> memref<1x1x128x128xf32, #tpu.memory_space<hbm>>
      %dma_start3A_1107 = tpu.memref_squeeze %dma_start3A_1106 : memref<1x1x128x128xf32, #tpu.memory_space<hbm>> -> memref<128x128xf32, #tpu.memory_space<hbm>>
      %dma_start3A_1108 = arith.constant 0 : i32
      %dma_start3A_1109 = arith.constant 0 : i32
      %dma_start3A_1110 = tpu.memref_slice %arg6[%add3A, %run_scoped3A_1068, %dma_start3A_1108, %dma_start3A_1109] : memref<32x4x128x128xf32, #tpu.memory_space<hbm>> -> memref<1x1x128x128xf32, #tpu.memory_space<hbm>>
      %dma_start3A_1111 = tpu.memref_squeeze %dma_start3A_1110 : memref<1x1x128x128xf32, #tpu.memory_space<hbm>> -> memref<128x128xf32, #tpu.memory_space<hbm>>
      %dma_start3A_1112 = arith.constant 0 : i32
      %dma_start3A_1113 = arith.constant 0 : i32
      %dma_start3A_1114 = tpu.memref_slice %arg12[%run_scoped3A_1067, %dma_start3A_1112, %dma_start3A_1113] : memref<2x128x128xf32, #tpu.memory_space<vmem>> -> memref<1x128x128xf32, #tpu.memory_space<vmem>>
      %dma_start3A_1115 = tpu.memref_squeeze %dma_start3A_1114 : memref<1x128x128xf32, #tpu.memory_space<vmem>> -> memref<128x128xf32, #tpu.memory_space<vmem>>
      tpu.enqueue_dma source(%dma_start3A_1115 : memref<128x128xf32, #tpu.memory_space<vmem>>) target(%dma_start3A_1111 : memref<128x128xf32, #tpu.memory_space<hbm>>) target_semaphore(%run_scoped3A_1099 : memref<!tpu.dma_semaphore, #tpu.memory_space<semaphore_mem>>)
      %dma_wait3A_1116 = arith.constant 0 : i32
      %dma_wait3A_1117 = arith.constant 0 : i32
      %dma_wait3A_1118 = tpu.memref_slice %arg12[%run_scoped3A_1067, %dma_wait3A_1116, %dma_wait3A_1117] : memref<2x128x128xf32, #tpu.memory_space<vmem>> -> memref<1x128x128xf32, #tpu.memory_space<vmem>>
      %dma_wait3A_1119 = tpu.memref_squeeze %dma_wait3A_1118 : memref<1x128x128xf32, #tpu.memory_space<vmem>> -> memref<128x128xf32, #tpu.memory_space<vmem>>
      %dma_wait3A_1120 = arith.constant 0 : i32
      %dma_wait3A_1121 = arith.constant 0 : i32
      %dma_wait3A_1122 = tpu.memref_slice %arg6[%add3A, %run_scoped3A_1068, %dma_wait3A_1120, %dma_wait3A_1121] : memref<32x4x128x128xf32, #tpu.memory_space<hbm>> -> memref<1x1x128x128xf32, #tpu.memory_space<hbm>>
      %dma_wait3A_1123 = tpu.memref_squeeze %dma_wait3A_1122 : memref<1x1x128x128xf32, #tpu.memory_space<hbm>> -> memref<128x128xf32, #tpu.memory_space<hbm>>
      %dma_wait3A_1124 = arith.constant 0 : i32
      %dma_wait3A_1125 = arith.constant 0 : i32
      %dma_wait3A_1126 = tpu.memref_slice %arg6[%add3A, %run_scoped3A_1068, %dma_wait3A_1124, %dma_wait3A_1125] : memref<32x4x128x128xf32, #tpu.memory_space<hbm>> -> memref<1x1x128x128xf32, #tpu.memory_space<hbm>>
      %dma_wait3A_1127 = tpu.memref_squeeze %dma_wait3A_1126 : memref<1x1x128x128xf32, #tpu.memory_space<hbm>> -> memref<128x128xf32, #tpu.memory_space<hbm>>
      %dma_wait3A_1128 = arith.constant 0 : i32
      %dma_wait3A_1129 = arith.constant 0 : i32
      %dma_wait3A_1130 = tpu.memref_slice %arg12[%run_scoped3A_1067, %dma_wait3A_1128, %dma_wait3A_1129] : memref<2x128x128xf32, #tpu.memory_space<vmem>> -> memref<1x128x128xf32, #tpu.memory_space<vmem>>
      %dma_wait3A_1131 = tpu.memref_squeeze %dma_wait3A_1130 : memref<1x128x128xf32, #tpu.memory_space<vmem>> -> memref<128x128xf32, #tpu.memory_space<vmem>>
      tpu.wait_dma2 semaphore(%run_scoped3A_1099 : memref<!tpu.dma_semaphore, #tpu.memory_space<semaphore_mem>>) src(%dma_wait3A_1131 : memref<128x128xf32, #tpu.memory_space<vmem>>) dst(%dma_wait3A_1127 : memref<128x128xf32, #tpu.memory_space<hbm>>)
      tpu.yield
    }) : () -> ()
    %run_scoped3A_1069 = arith.constant 0 : i32
    %run_scoped3A_1070 = arith.constant 2 : i32
    "tpu.region"() ({
      %run_scoped3A_1099 = tpu.sem_alloc : memref<!tpu.dma_semaphore, #tpu.memory_space<semaphore_mem>>
      %dma_start3A_1100 = arith.constant 0 : i32
      %dma_start3A_1101 = arith.constant 0 : i32
      %dma_start3A_1102 = tpu.memref_slice %arg13[%run_scoped3A_1069, %dma_start3A_1100, %dma_start3A_1101] : memref<2x128x128xf32, #tpu.memory_space<vmem>> -> memref<1x128x128xf32, #tpu.memory_space<vmem>>
      %dma_start3A_1103 = tpu.memref_squeeze %dma_start3A_1102 : memref<1x128x128xf32, #tpu.memory_space<vmem>> -> memref<128x128xf32, #tpu.memory_space<vmem>>
      %dma_start3A_1104 = arith.constant 0 : i32
      %dma_start3A_1105 = arith.constant 0 : i32
      %dma_start3A_1106 = tpu.memref_slice %arg7[%add3A, %run_scoped3A_1070, %dma_start3A_1104, %dma_start3A_1105] : memref<32x4x128x128xf32, #tpu.memory_space<hbm>> -> memref<1x1x128x128xf32, #tpu.memory_space<hbm>>
      %dma_start3A_1107 = tpu.memref_squeeze %dma_start3A_1106 : memref<1x1x128x128xf32, #tpu.memory_space<hbm>> -> memref<128x128xf32, #tpu.memory_space<hbm>>
      %dma_start3A_1108 = arith.constant 0 : i32
      %dma_start3A_1109 = arith.constant 0 : i32
      %dma_start3A_1110 = tpu.memref_slice %arg7[%add3A, %run_scoped3A_1070, %dma_start3A_1108, %dma_start3A_1109] : memref<32x4x128x128xf32, #tpu.memory_space<hbm>> -> memref<1x1x128x128xf32, #tpu.memory_space<hbm>>
      %dma_start3A_1111 = tpu.memref_squeeze %dma_start3A_1110 : memref<1x1x128x128xf32, #tpu.memory_space<hbm>> -> memref<128x128xf32, #tpu.memory_space<hbm>>
      %dma_start3A_1112 = arith.constant 0 : i32
      %dma_start3A_1113 = arith.constant 0 : i32
      %dma_start3A_1114 = tpu.memref_slice %arg13[%run_scoped3A_1069, %dma_start3A_1112, %dma_start3A_1113] : memref<2x128x128xf32, #tpu.memory_space<vmem>> -> memref<1x128x128xf32, #tpu.memory_space<vmem>>
      %dma_start3A_1115 = tpu.memref_squeeze %dma_start3A_1114 : memref<1x128x128xf32, #tpu.memory_space<vmem>> -> memref<128x128xf32, #tpu.memory_space<vmem>>
      tpu.enqueue_dma source(%dma_start3A_1115 : memref<128x128xf32, #tpu.memory_space<vmem>>) target(%dma_start3A_1111 : memref<128x128xf32, #tpu.memory_space<hbm>>) target_semaphore(%run_scoped3A_1099 : memref<!tpu.dma_semaphore, #tpu.memory_space<semaphore_mem>>)
      %dma_wait3A_1116 = arith.constant 0 : i32
      %dma_wait3A_1117 = arith.constant 0 : i32
      %dma_wait3A_1118 = tpu.memref_slice %arg13[%run_scoped3A_1069, %dma_wait3A_1116, %dma_wait3A_1117] : memref<2x128x128xf32, #tpu.memory_space<vmem>> -> memref<1x128x128xf32, #tpu.memory_space<vmem>>
      %dma_wait3A_1119 = tpu.memref_squeeze %dma_wait3A_1118 : memref<1x128x128xf32, #tpu.memory_space<vmem>> -> memref<128x128xf32, #tpu.memory_space<vmem>>
      %dma_wait3A_1120 = arith.constant 0 : i32
      %dma_wait3A_1121 = arith.constant 0 : i32
      %dma_wait3A_1122 = tpu.memref_slice %arg7[%add3A, %run_scoped3A_1070, %dma_wait3A_1120, %dma_wait3A_1121] : memref<32x4x128x128xf32, #tpu.memory_space<hbm>> -> memref<1x1x128x128xf32, #tpu.memory_space<hbm>>
      %dma_wait3A_1123 = tpu.memref_squeeze %dma_wait3A_1122 : memref<1x1x128x128xf32, #tpu.memory_space<hbm>> -> memref<128x128xf32, #tpu.memory_space<hbm>>
      %dma_wait3A_1124 = arith.constant 0 : i32
      %dma_wait3A_1125 = arith.constant 0 : i32
      %dma_wait3A_1126 = tpu.memref_slice %arg7[%add3A, %run_scoped3A_1070, %dma_wait3A_1124, %dma_wait3A_1125] : memref<32x4x128x128xf32, #tpu.memory_space<hbm>> -> memref<1x1x128x128xf32, #tpu.memory_space<hbm>>
      %dma_wait3A_1127 = tpu.memref_squeeze %dma_wait3A_1126 : memref<1x1x128x128xf32, #tpu.memory_space<hbm>> -> memref<128x128xf32, #tpu.memory_space<hbm>>
      %dma_wait3A_1128 = arith.constant 0 : i32
      %dma_wait3A_1129 = arith.constant 0 : i32
      %dma_wait3A_1130 = tpu.memref_slice %arg13[%run_scoped3A_1069, %dma_wait3A_1128, %dma_wait3A_1129] : memref<2x128x128xf32, #tpu.memory_space<vmem>> -> memref<1x128x128xf32, #tpu.memory_space<vmem>>
      %dma_wait3A_1131 = tpu.memref_squeeze %dma_wait3A_1130 : memref<1x128x128xf32, #tpu.memory_space<vmem>> -> memref<128x128xf32, #tpu.memory_space<vmem>>
      tpu.wait_dma2 semaphore(%run_scoped3A_1099 : memref<!tpu.dma_semaphore, #tpu.memory_space<semaphore_mem>>) src(%dma_wait3A_1131 : memref<128x128xf32, #tpu.memory_space<vmem>>) dst(%dma_wait3A_1127 : memref<128x128xf32, #tpu.memory_space<hbm>>)
      tpu.yield
    }) : () -> ()
    %dma_wait3A_1071 = arith.constant 3 : i32
    %dma_wait3A_1072 = arith.constant 1 : i32
    %dma_wait3A_1073 = arith.constant 0 : i32
    %dma_wait3A_1074 = arith.constant 0 : i32
    %dma_wait3A_1075 = tpu.memref_slice %arg12[%dma_wait3A_1072, %dma_wait3A_1073, %dma_wait3A_1074] : memref<2x128x128xf32, #tpu.memory_space<vmem>> -> memref<1x128x128xf32, #tpu.memory_space<vmem>>
    %dma_wait3A_1076 = tpu.memref_squeeze %dma_wait3A_1075 : memref<1x128x128xf32, #tpu.memory_space<vmem>> -> memref<128x128xf32, #tpu.memory_space<vmem>>
    %dma_wait3A_1077 = arith.constant 0 : i32
    %dma_wait3A_1078 = tpu.memref_slice %arg10[%dma_wait3A_1071, %dma_wait3A_1077] : memref<4x128xi32, #tpu.memory_space<vmem>> -> memref<1x128xi32, #tpu.memory_space<vmem>>
    %dma_wait3A_1079 = tpu.memref_squeeze %dma_wait3A_1078 : memref<1x128xi32, #tpu.memory_space<vmem>> -> memref<128xi32, #tpu.memory_space<vmem>>
    %dma_wait3A_1080 = arith.constant 0 : i32
    %dma_wait3A_1081 = arith.constant 0 : i32
    %dma_wait3A_1082 = tpu.memref_slice %arg2[%dma_wait3A_1080, %dma_wait3A_1081] : memref<131072x128xf32, #tpu.memory_space<hbm>> -> memref<131072x128xf32, #tpu.memory_space<hbm>>
    tpu.wait_indirect_dma semaphore(%arg15 : memref<!tpu.dma_semaphore, #tpu.memory_space<semaphore_mem>>) src(%dma_wait3A_1082 : memref<131072x128xf32, #tpu.memory_space<hbm>>) dst(%dma_wait3A_1076 : memref<128x128xf32, #tpu.memory_space<vmem>>)
    %dma_wait3A_1083 = arith.constant 3 : i32
    %dma_wait3A_1084 = arith.constant 1 : i32
    %dma_wait3A_1085 = arith.constant 0 : i32
    %dma_wait3A_1086 = arith.constant 0 : i32
    %dma_wait3A_1087 = tpu.memref_slice %arg13[%dma_wait3A_1084, %dma_wait3A_1085, %dma_wait3A_1086] : memref<2x128x128xf32, #tpu.memory_space<vmem>> -> memref<1x128x128xf32, #tpu.memory_space<vmem>>
    %dma_wait3A_1088 = tpu.memref_squeeze %dma_wait3A_1087 : memref<1x128x128xf32, #tpu.memory_space<vmem>> -> memref<128x128xf32, #tpu.memory_space<vmem>>
    %dma_wait3A_1089 = arith.constant 0 : i32
    %dma_wait3A_1090 = tpu.memref_slice %arg11[%dma_wait3A_1083, %dma_wait3A_1089] : memref<4x128xi32, #tpu.memory_space<vmem>> -> memref<1x128xi32, #tpu.memory_space<vmem>>
    %dma_wait3A_1091 = tpu.memref_squeeze %dma_wait3A_1090 : memref<1x128xi32, #tpu.memory_space<vmem>> -> memref<128xi32, #tpu.memory_space<vmem>>
    %dma_wait3A_1092 = arith.constant 0 : i32
    %dma_wait3A_1093 = arith.constant 0 : i32
    %dma_wait3A_1094 = tpu.memref_slice %arg3[%dma_wait3A_1092, %dma_wait3A_1093] : memref<131072x128xf32, #tpu.memory_space<hbm>> -> memref<131072x128xf32, #tpu.memory_space<hbm>>
    tpu.wait_indirect_dma semaphore(%arg17 : memref<!tpu.dma_semaphore, #tpu.memory_space<semaphore_mem>>) src(%dma_wait3A_1094 : memref<131072x128xf32, #tpu.memory_space<hbm>>) dst(%dma_wait3A_1088 : memref<128x128xf32, #tpu.memory_space<vmem>>)
    %run_scoped3A_1095 = arith.constant 1 : i32
    %run_scoped3A_1096 = arith.constant 3 : i32
    "tpu.region"() ({
      %run_scoped3A_1099 = tpu.sem_alloc : memref<!tpu.dma_semaphore, #tpu.memory_space<semaphore_mem>>
      %dma_start3A_1100 = arith.constant 0 : i32
      %dma_start3A_1101 = arith.constant 0 : i32
      %dma_start3A_1102 = tpu.memref_slice %arg12[%run_scoped3A_1095, %dma_start3A_1100, %dma_start3A_1101] : memref<2x128x128xf32, #tpu.memory_space<vmem>> -> memref<1x128x128xf32, #tpu.memory_space<vmem>>
      %dma_start3A_1103 = tpu.memref_squeeze %dma_start3A_1102 : memref<1x128x128xf32, #tpu.memory_space<vmem>> -> memref<128x128xf32, #tpu.memory_space<vmem>>
      %dma_start3A_1104 = arith.constant 0 : i32
      %dma_start3A_1105 = arith.constant 0 : i32
      %dma_start3A_1106 = tpu.memref_slice %arg6[%add3A, %run_scoped3A_1096, %dma_start3A_1104, %dma_start3A_1105] : memref<32x4x128x128xf32, #tpu.memory_space<hbm>> -> memref<1x1x128x128xf32, #tpu.memory_space<hbm>>
      %dma_start3A_1107 = tpu.memref_squeeze %dma_start3A_1106 : memref<1x1x128x128xf32, #tpu.memory_space<hbm>> -> memref<128x128xf32, #tpu.memory_space<hbm>>
      %dma_start3A_1108 = arith.constant 0 : i32
      %dma_start3A_1109 = arith.constant 0 : i32
      %dma_start3A_1110 = tpu.memref_slice %arg6[%add3A, %run_scoped3A_1096, %dma_start3A_1108, %dma_start3A_1109] : memref<32x4x128x128xf32, #tpu.memory_space<hbm>> -> memref<1x1x128x128xf32, #tpu.memory_space<hbm>>
      %dma_start3A_1111 = tpu.memref_squeeze %dma_start3A_1110 : memref<1x1x128x128xf32, #tpu.memory_space<hbm>> -> memref<128x128xf32, #tpu.memory_space<hbm>>
      %dma_start3A_1112 = arith.constant 0 : i32
      %dma_start3A_1113 = arith.constant 0 : i32
      %dma_start3A_1114 = tpu.memref_slice %arg12[%run_scoped3A_1095, %dma_start3A_1112, %dma_start3A_1113] : memref<2x128x128xf32, #tpu.memory_space<vmem>> -> memref<1x128x128xf32, #tpu.memory_space<vmem>>
      %dma_start3A_1115 = tpu.memref_squeeze %dma_start3A_1114 : memref<1x128x128xf32, #tpu.memory_space<vmem>> -> memref<128x128xf32, #tpu.memory_space<vmem>>
      tpu.enqueue_dma source(%dma_start3A_1115 : memref<128x128xf32, #tpu.memory_space<vmem>>) target(%dma_start3A_1111 : memref<128x128xf32, #tpu.memory_space<hbm>>) target_semaphore(%run_scoped3A_1099 : memref<!tpu.dma_semaphore, #tpu.memory_space<semaphore_mem>>)
      %dma_wait3A_1116 = arith.constant 0 : i32
      %dma_wait3A_1117 = arith.constant 0 : i32
      %dma_wait3A_1118 = tpu.memref_slice %arg12[%run_scoped3A_1095, %dma_wait3A_1116, %dma_wait3A_1117] : memref<2x128x128xf32, #tpu.memory_space<vmem>> -> memref<1x128x128xf32, #tpu.memory_space<vmem>>
      %dma_wait3A_1119 = tpu.memref_squeeze %dma_wait3A_1118 : memref<1x128x128xf32, #tpu.memory_space<vmem>> -> memref<128x128xf32, #tpu.memory_space<vmem>>
      %dma_wait3A_1120 = arith.constant 0 : i32
      %dma_wait3A_1121 = arith.constant 0 : i32
      %dma_wait3A_1122 = tpu.memref_slice %arg6[%add3A, %run_scoped3A_1096, %dma_wait3A_1120, %dma_wait3A_1121] : memref<32x4x128x128xf32, #tpu.memory_space<hbm>> -> memref<1x1x128x128xf32, #tpu.memory_space<hbm>>
      %dma_wait3A_1123 = tpu.memref_squeeze %dma_wait3A_1122 : memref<1x1x128x128xf32, #tpu.memory_space<hbm>> -> memref<128x128xf32, #tpu.memory_space<hbm>>
      %dma_wait3A_1124 = arith.constant 0 : i32
      %dma_wait3A_1125 = arith.constant 0 : i32
      %dma_wait3A_1126 = tpu.memref_slice %arg6[%add3A, %run_scoped3A_1096, %dma_wait3A_1124, %dma_wait3A_1125] : memref<32x4x128x128xf32, #tpu.memory_space<hbm>> -> memref<1x1x128x128xf32, #tpu.memory_space<hbm>>
      %dma_wait3A_1127 = tpu.memref_squeeze %dma_wait3A_1126 : memref<1x1x128x128xf32, #tpu.memory_space<hbm>> -> memref<128x128xf32, #tpu.memory_space<hbm>>
      %dma_wait3A_1128 = arith.constant 0 : i32
      %dma_wait3A_1129 = arith.constant 0 : i32
      %dma_wait3A_1130 = tpu.memref_slice %arg12[%run_scoped3A_1095, %dma_wait3A_1128, %dma_wait3A_1129] : memref<2x128x128xf32, #tpu.memory_space<vmem>> -> memref<1x128x128xf32, #tpu.memory_space<vmem>>
      %dma_wait3A_1131 = tpu.memref_squeeze %dma_wait3A_1130 : memref<1x128x128xf32, #tpu.memory_space<vmem>> -> memref<128x128xf32, #tpu.memory_space<vmem>>
      tpu.wait_dma2 semaphore(%run_scoped3A_1099 : memref<!tpu.dma_semaphore, #tpu.memory_space<semaphore_mem>>) src(%dma_wait3A_1131 : memref<128x128xf32, #tpu.memory_space<vmem>>) dst(%dma_wait3A_1127 : memref<128x128xf32, #tpu.memory_space<hbm>>)
      tpu.yield
    }) : () -> ()
    %run_scoped3A_1097 = arith.constant 1 : i32
    %run_scoped3A_1098 = arith.constant 3 : i32
    "tpu.region"() ({
      %run_scoped3A_1099 = tpu.sem_alloc : memref<!tpu.dma_semaphore, #tpu.memory_space<semaphore_mem>>
      %dma_start3A_1100 = arith.constant 0 : i32
      %dma_start3A_1101 = arith.constant 0 : i32
      %dma_start3A_1102 = tpu.memref_slice %arg13[%run_scoped3A_1097, %dma_start3A_1100, %dma_start3A_1101] : memref<2x128x128xf32, #tpu.memory_space<vmem>> -> memref<1x128x128xf32, #tpu.memory_space<vmem>>
      %dma_start3A_1103 = tpu.memref_squeeze %dma_start3A_1102 : memref<1x128x128xf32, #tpu.memory_space<vmem>> -> memref<128x128xf32, #tpu.memory_space<vmem>>
      %dma_start3A_1104 = arith.constant 0 : i32
      %dma_start3A_1105 = arith.constant 0 : i32
      %dma_start3A_1106 = tpu.memref_slice %arg7[%add3A, %run_scoped3A_1098, %dma_start3A_1104, %dma_start3A_1105] : memref<32x4x128x128xf32, #tpu.memory_space<hbm>> -> memref<1x1x128x128xf32, #tpu.memory_space<hbm>>
      %dma_start3A_1107 = tpu.memref_squeeze %dma_start3A_1106 : memref<1x1x128x128xf32, #tpu.memory_space<hbm>> -> memref<128x128xf32, #tpu.memory_space<hbm>>
      %dma_start3A_1108 = arith.constant 0 : i32
      %dma_start3A_1109 = arith.constant 0 : i32
      %dma_start3A_1110 = tpu.memref_slice %arg7[%add3A, %run_scoped3A_1098, %dma_start3A_1108, %dma_start3A_1109] : memref<32x4x128x128xf32, #tpu.memory_space<hbm>> -> memref<1x1x128x128xf32, #tpu.memory_space<hbm>>
      %dma_start3A_1111 = tpu.memref_squeeze %dma_start3A_1110 : memref<1x1x128x128xf32, #tpu.memory_space<hbm>> -> memref<128x128xf32, #tpu.memory_space<hbm>>
      %dma_start3A_1112 = arith.constant 0 : i32
      %dma_start3A_1113 = arith.constant 0 : i32
      %dma_start3A_1114 = tpu.memref_slice %arg13[%run_scoped3A_1097, %dma_start3A_1112, %dma_start3A_1113] : memref<2x128x128xf32, #tpu.memory_space<vmem>> -> memref<1x128x128xf32, #tpu.memory_space<vmem>>
      %dma_start3A_1115 = tpu.memref_squeeze %dma_start3A_1114 : memref<1x128x128xf32, #tpu.memory_space<vmem>> -> memref<128x128xf32, #tpu.memory_space<vmem>>
      tpu.enqueue_dma source(%dma_start3A_1115 : memref<128x128xf32, #tpu.memory_space<vmem>>) target(%dma_start3A_1111 : memref<128x128xf32, #tpu.memory_space<hbm>>) target_semaphore(%run_scoped3A_1099 : memref<!tpu.dma_semaphore, #tpu.memory_space<semaphore_mem>>)
      %dma_wait3A_1116 = arith.constant 0 : i32
      %dma_wait3A_1117 = arith.constant 0 : i32
      %dma_wait3A_1118 = tpu.memref_slice %arg13[%run_scoped3A_1097, %dma_wait3A_1116, %dma_wait3A_1117] : memref<2x128x128xf32, #tpu.memory_space<vmem>> -> memref<1x128x128xf32, #tpu.memory_space<vmem>>
      %dma_wait3A_1119 = tpu.memref_squeeze %dma_wait3A_1118 : memref<1x128x128xf32, #tpu.memory_space<vmem>> -> memref<128x128xf32, #tpu.memory_space<vmem>>
      %dma_wait3A_1120 = arith.constant 0 : i32
      %dma_wait3A_1121 = arith.constant 0 : i32
      %dma_wait3A_1122 = tpu.memref_slice %arg7[%add3A, %run_scoped3A_1098, %dma_wait3A_1120, %dma_wait3A_1121] : memref<32x4x128x128xf32, #tpu.memory_space<hbm>> -> memref<1x1x128x128xf32, #tpu.memory_space<hbm>>
      %dma_wait3A_1123 = tpu.memref_squeeze %dma_wait3A_1122 : memref<1x1x128x128xf32, #tpu.memory_space<hbm>> -> memref<128x128xf32, #tpu.memory_space<hbm>>
      %dma_wait3A_1124 = arith.constant 0 : i32
      %dma_wait3A_1125 = arith.constant 0 : i32
      %dma_wait3A_1126 = tpu.memref_slice %arg7[%add3A, %run_scoped3A_1098, %dma_wait3A_1124, %dma_wait3A_1125] : memref<32x4x128x128xf32, #tpu.memory_space<hbm>> -> memref<1x1x128x128xf32, #tpu.memory_space<hbm>>
      %dma_wait3A_1127 = tpu.memref_squeeze %dma_wait3A_1126 : memref<1x1x128x128xf32, #tpu.memory_space<hbm>> -> memref<128x128xf32, #tpu.memory_space<hbm>>
      %dma_wait3A_1128 = arith.constant 0 : i32
      %dma_wait3A_1129 = arith.constant 0 : i32
      %dma_wait3A_1130 = tpu.memref_slice %arg13[%run_scoped3A_1097, %dma_wait3A_1128, %dma_wait3A_1129] : memref<2x128x128xf32, #tpu.memory_space<vmem>> -> memref<1x128x128xf32, #tpu.memory_space<vmem>>
      %dma_wait3A_1131 = tpu.memref_squeeze %dma_wait3A_1130 : memref<1x128x128xf32, #tpu.memory_space<vmem>> -> memref<128x128xf32, #tpu.memory_space<vmem>>
      tpu.wait_dma2 semaphore(%run_scoped3A_1099 : memref<!tpu.dma_semaphore, #tpu.memory_space<semaphore_mem>>) src(%dma_wait3A_1131 : memref<128x128xf32, #tpu.memory_space<vmem>>) dst(%dma_wait3A_1127 : memref<128x128xf32, #tpu.memory_space<hbm>>)
      tpu.yield
    }) : () -> ()
    return
  }
}

module attributes {stable_mosaic.version = 14 : i64} {
  func.func @_transform_body(%arg0: i32, %arg1: memref<16x4096xf32, #tpu.memory_space<vmem>>, %arg2: memref<16x4096xf32, #tpu.memory_space<vmem>>, %arg3: memref<16x4096xf32, #tpu.memory_space<vmem>>, %arg4: memref<16x4096xf32, #tpu.memory_space<vmem>>, %arg5: memref<16x4096xf32, #tpu.memory_space<vmem>>, %arg6: memref<16x4096xf32, #tpu.memory_space<vmem>>, %arg7: memref<16x4096xf32, #tpu.memory_space<vmem>>, %arg8: memref<16x4096xf32, #tpu.memory_space<vmem>>, %arg9: memref<16x4096xf32, #tpu.memory_space<vmem>>, %arg10: memref<16x4096xf32, #tpu.memory_space<vmem>>, %arg11: memref<16x4096xf32, #tpu.memory_space<vmem>>, %arg12: memref<16x4096xf32, #tpu.memory_space<vmem>>, %arg13: memref<16x4096xf32, #tpu.memory_space<vmem>>, %arg14: memref<16x4096xf32, #tpu.memory_space<vmem>>, %arg15: memref<16x4096xf32, #tpu.memory_space<vmem>>, %arg16: memref<16x4096xf32, #tpu.memory_space<vmem>>, %arg17: memref<16x16xf32, #tpu.memory_space<vmem>>, %arg18: memref<16x16xf32, #tpu.memory_space<vmem>>, %arg19: memref<4096x128xf32, #tpu.memory_space<vmem>>, %arg20: memref<4096x128xf32, #tpu.memory_space<vmem>>) attributes {dimension_semantics = [#tpu.dimension_semantics<arbitrary>], iteration_bounds = array<i64: 32>, scalar_prefetch = 0 : i64, scratch_operands = 0 : i64, tpu.core_type = #tpu.core_type<tc>, window_params = [{transform_indices = @transform_0, window_bounds = array<i64: 16, 4096>}, {transform_indices = @transform_1, window_bounds = array<i64: 16, 4096>}, {transform_indices = @transform_2, window_bounds = array<i64: 16, 4096>}, {transform_indices = @transform_3, window_bounds = array<i64: 16, 4096>}, {transform_indices = @transform_4, window_bounds = array<i64: 16, 4096>}, {transform_indices = @transform_5, window_bounds = array<i64: 16, 4096>}, {transform_indices = @transform_6, window_bounds = array<i64: 16, 4096>}, {transform_indices = @transform_7, window_bounds = array<i64: 16, 4096>}, {transform_indices = @transform_8, window_bounds = array<i64: 16, 4096>}, {transform_indices = @transform_9, window_bounds = array<i64: 16, 4096>}, {transform_indices = @transform_10, window_bounds = array<i64: 16, 4096>}, {transform_indices = @transform_11, window_bounds = array<i64: 16, 4096>}, {transform_indices = @transform_12, window_bounds = array<i64: 16, 4096>}, {transform_indices = @transform_13, window_bounds = array<i64: 16, 4096>}, {transform_indices = @transform_14, window_bounds = array<i64: 16, 4096>}, {transform_indices = @transform_15, window_bounds = array<i64: 16, 4096>}, {pipeline_mode = #tpu.pipeline_mode<synchronous>, transform_indices = @transform_16, window_bounds = array<i64: 16, 16>}, {pipeline_mode = #tpu.pipeline_mode<synchronous>, transform_indices = @transform_17, window_bounds = array<i64: 16, 16>}, {transform_indices = @transform_18, window_bounds = array<i64: 4096, 128>}, {transform_indices = @transform_19, window_bounds = array<i64: 4096, 128>}]} {
    %get3A = arith.constant 0 : index
    %get3A_0 = arith.constant 0 : index
    %get3A_1 = vector.load %arg17[%get3A, %get3A_0] : memref<16x16xf32, #tpu.memory_space<vmem>>, vector<16x16xf32>
    %get3A_2 = arith.constant 0 : index
    %get3A_3 = arith.constant 0 : index
    %get3A_4 = vector.load %arg1[%get3A_2, %get3A_3] : memref<16x4096xf32, #tpu.memory_space<vmem>>, vector<16x4096xf32>
    %dot_general3A = arith.constant dense<0.000000e+00> : vector<16x4096xf32>
    %dot_general3A_5 = tpu.matmul %get3A_1, %get3A_4, %dot_general3A {dimension_numbers = #tpu.dot_dimension_numbers<[1], [0], [0], [1], [0, 0, 1, 1], [], []>, transpose_lhs_hint = false} : vector<16x16xf32>, vector<16x4096xf32>, vector<16x4096xf32> -> vector<16x4096xf32>
    %get3A_6 = arith.constant 0 : index
    %get3A_7 = arith.constant 0 : index
    %get3A_8 = vector.load %arg17[%get3A_6, %get3A_7] : memref<16x16xf32, #tpu.memory_space<vmem>>, vector<16x16xf32>
    %get3A_9 = arith.constant 0 : index
    %get3A_10 = arith.constant 0 : index
    %get3A_11 = vector.load %arg2[%get3A_9, %get3A_10] : memref<16x4096xf32, #tpu.memory_space<vmem>>, vector<16x4096xf32>
    %dot_general3A_12 = arith.constant dense<0.000000e+00> : vector<16x4096xf32>
    %dot_general3A_13 = tpu.matmul %get3A_8, %get3A_11, %dot_general3A_12 {dimension_numbers = #tpu.dot_dimension_numbers<[1], [0], [0], [1], [0, 0, 1, 1], [], []>, transpose_lhs_hint = false} : vector<16x16xf32>, vector<16x4096xf32>, vector<16x4096xf32> -> vector<16x4096xf32>
    %get3A_14 = arith.constant 0 : index
    %get3A_15 = arith.constant 0 : index
    %get3A_16 = vector.load %arg17[%get3A_14, %get3A_15] : memref<16x16xf32, #tpu.memory_space<vmem>>, vector<16x16xf32>
    %get3A_17 = arith.constant 0 : index
    %get3A_18 = arith.constant 0 : index
    %get3A_19 = vector.load %arg3[%get3A_17, %get3A_18] : memref<16x4096xf32, #tpu.memory_space<vmem>>, vector<16x4096xf32>
    %dot_general3A_20 = arith.constant dense<0.000000e+00> : vector<16x4096xf32>
    %dot_general3A_21 = tpu.matmul %get3A_16, %get3A_19, %dot_general3A_20 {dimension_numbers = #tpu.dot_dimension_numbers<[1], [0], [0], [1], [0, 0, 1, 1], [], []>, transpose_lhs_hint = false} : vector<16x16xf32>, vector<16x4096xf32>, vector<16x4096xf32> -> vector<16x4096xf32>
    %get3A_22 = arith.constant 0 : index
    %get3A_23 = arith.constant 0 : index
    %get3A_24 = vector.load %arg17[%get3A_22, %get3A_23] : memref<16x16xf32, #tpu.memory_space<vmem>>, vector<16x16xf32>
    %get3A_25 = arith.constant 0 : index
    %get3A_26 = arith.constant 0 : index
    %get3A_27 = vector.load %arg4[%get3A_25, %get3A_26] : memref<16x4096xf32, #tpu.memory_space<vmem>>, vector<16x4096xf32>
    %dot_general3A_28 = arith.constant dense<0.000000e+00> : vector<16x4096xf32>
    %dot_general3A_29 = tpu.matmul %get3A_24, %get3A_27, %dot_general3A_28 {dimension_numbers = #tpu.dot_dimension_numbers<[1], [0], [0], [1], [0, 0, 1, 1], [], []>, transpose_lhs_hint = false} : vector<16x16xf32>, vector<16x4096xf32>, vector<16x4096xf32> -> vector<16x4096xf32>
    %get3A_30 = arith.constant 0 : index
    %get3A_31 = arith.constant 0 : index
    %get3A_32 = vector.load %arg17[%get3A_30, %get3A_31] : memref<16x16xf32, #tpu.memory_space<vmem>>, vector<16x16xf32>
    %get3A_33 = arith.constant 0 : index
    %get3A_34 = arith.constant 0 : index
    %get3A_35 = vector.load %arg5[%get3A_33, %get3A_34] : memref<16x4096xf32, #tpu.memory_space<vmem>>, vector<16x4096xf32>
    %dot_general3A_36 = arith.constant dense<0.000000e+00> : vector<16x4096xf32>
    %dot_general3A_37 = tpu.matmul %get3A_32, %get3A_35, %dot_general3A_36 {dimension_numbers = #tpu.dot_dimension_numbers<[1], [0], [0], [1], [0, 0, 1, 1], [], []>, transpose_lhs_hint = false} : vector<16x16xf32>, vector<16x4096xf32>, vector<16x4096xf32> -> vector<16x4096xf32>
    %get3A_38 = arith.constant 0 : index
    %get3A_39 = arith.constant 0 : index
    %get3A_40 = vector.load %arg17[%get3A_38, %get3A_39] : memref<16x16xf32, #tpu.memory_space<vmem>>, vector<16x16xf32>
    %get3A_41 = arith.constant 0 : index
    %get3A_42 = arith.constant 0 : index
    %get3A_43 = vector.load %arg6[%get3A_41, %get3A_42] : memref<16x4096xf32, #tpu.memory_space<vmem>>, vector<16x4096xf32>
    %dot_general3A_44 = arith.constant dense<0.000000e+00> : vector<16x4096xf32>
    %dot_general3A_45 = tpu.matmul %get3A_40, %get3A_43, %dot_general3A_44 {dimension_numbers = #tpu.dot_dimension_numbers<[1], [0], [0], [1], [0, 0, 1, 1], [], []>, transpose_lhs_hint = false} : vector<16x16xf32>, vector<16x4096xf32>, vector<16x4096xf32> -> vector<16x4096xf32>
    %get3A_46 = arith.constant 0 : index
    %get3A_47 = arith.constant 0 : index
    %get3A_48 = vector.load %arg17[%get3A_46, %get3A_47] : memref<16x16xf32, #tpu.memory_space<vmem>>, vector<16x16xf32>
    %get3A_49 = arith.constant 0 : index
    %get3A_50 = arith.constant 0 : index
    %get3A_51 = vector.load %arg7[%get3A_49, %get3A_50] : memref<16x4096xf32, #tpu.memory_space<vmem>>, vector<16x4096xf32>
    %dot_general3A_52 = arith.constant dense<0.000000e+00> : vector<16x4096xf32>
    %dot_general3A_53 = tpu.matmul %get3A_48, %get3A_51, %dot_general3A_52 {dimension_numbers = #tpu.dot_dimension_numbers<[1], [0], [0], [1], [0, 0, 1, 1], [], []>, transpose_lhs_hint = false} : vector<16x16xf32>, vector<16x4096xf32>, vector<16x4096xf32> -> vector<16x4096xf32>
    %get3A_54 = arith.constant 0 : index
    %get3A_55 = arith.constant 0 : index
    %get3A_56 = vector.load %arg17[%get3A_54, %get3A_55] : memref<16x16xf32, #tpu.memory_space<vmem>>, vector<16x16xf32>
    %get3A_57 = arith.constant 0 : index
    %get3A_58 = arith.constant 0 : index
    %get3A_59 = vector.load %arg8[%get3A_57, %get3A_58] : memref<16x4096xf32, #tpu.memory_space<vmem>>, vector<16x4096xf32>
    %dot_general3A_60 = arith.constant dense<0.000000e+00> : vector<16x4096xf32>
    %dot_general3A_61 = tpu.matmul %get3A_56, %get3A_59, %dot_general3A_60 {dimension_numbers = #tpu.dot_dimension_numbers<[1], [0], [0], [1], [0, 0, 1, 1], [], []>, transpose_lhs_hint = false} : vector<16x16xf32>, vector<16x4096xf32>, vector<16x4096xf32> -> vector<16x4096xf32>
    %concatenate3A = tpu.concatenate %dot_general3A_5, %dot_general3A_13, %dot_general3A_21, %dot_general3A_29, %dot_general3A_37, %dot_general3A_45, %dot_general3A_53, %dot_general3A_61 in 0 : vector<16x4096xf32>, vector<16x4096xf32>, vector<16x4096xf32>, vector<16x4096xf32>, vector<16x4096xf32>, vector<16x4096xf32>, vector<16x4096xf32>, vector<16x4096xf32> -> vector<128x4096xf32>
    %transpose3A = tpu.transpose %concatenate3A, [1, 0] : vector<128x4096xf32> -> vector<4096x128xf32>
    %swap3A = arith.constant 0 : index
    %swap3A_62 = arith.constant 0 : index
    %swap3A_63 = vector.load %arg19[%swap3A, %swap3A_62] : memref<4096x128xf32, #tpu.memory_space<vmem>>, vector<4096x128xf32>
    tpu.vector_store %arg19[%swap3A, %swap3A_62], %transpose3A {strides = array<i32>} : memref<4096x128xf32, #tpu.memory_space<vmem>>, vector<4096x128xf32>,
    %get3A_64 = arith.constant 0 : index
    %get3A_65 = arith.constant 0 : index
    %get3A_66 = vector.load %arg18[%get3A_64, %get3A_65] : memref<16x16xf32, #tpu.memory_space<vmem>>, vector<16x16xf32>
    %get3A_67 = arith.constant 0 : index
    %get3A_68 = arith.constant 0 : index
    %get3A_69 = vector.load %arg9[%get3A_67, %get3A_68] : memref<16x4096xf32, #tpu.memory_space<vmem>>, vector<16x4096xf32>
    %dot_general3A_70 = arith.constant dense<0.000000e+00> : vector<16x4096xf32>
    %dot_general3A_71 = tpu.matmul %get3A_66, %get3A_69, %dot_general3A_70 {dimension_numbers = #tpu.dot_dimension_numbers<[1], [0], [0], [1], [0, 0, 1, 1], [], []>, transpose_lhs_hint = false} : vector<16x16xf32>, vector<16x4096xf32>, vector<16x4096xf32> -> vector<16x4096xf32>
    %get3A_72 = arith.constant 0 : index
    %get3A_73 = arith.constant 0 : index
    %get3A_74 = vector.load %arg18[%get3A_72, %get3A_73] : memref<16x16xf32, #tpu.memory_space<vmem>>, vector<16x16xf32>
    %get3A_75 = arith.constant 0 : index
    %get3A_76 = arith.constant 0 : index
    %get3A_77 = vector.load %arg10[%get3A_75, %get3A_76] : memref<16x4096xf32, #tpu.memory_space<vmem>>, vector<16x4096xf32>
    %dot_general3A_78 = arith.constant dense<0.000000e+00> : vector<16x4096xf32>
    %dot_general3A_79 = tpu.matmul %get3A_74, %get3A_77, %dot_general3A_78 {dimension_numbers = #tpu.dot_dimension_numbers<[1], [0], [0], [1], [0, 0, 1, 1], [], []>, transpose_lhs_hint = false} : vector<16x16xf32>, vector<16x4096xf32>, vector<16x4096xf32> -> vector<16x4096xf32>
    %get3A_80 = arith.constant 0 : index
    %get3A_81 = arith.constant 0 : index
    %get3A_82 = vector.load %arg18[%get3A_80, %get3A_81] : memref<16x16xf32, #tpu.memory_space<vmem>>, vector<16x16xf32>
    %get3A_83 = arith.constant 0 : index
    %get3A_84 = arith.constant 0 : index
    %get3A_85 = vector.load %arg11[%get3A_83, %get3A_84] : memref<16x4096xf32, #tpu.memory_space<vmem>>, vector<16x4096xf32>
    %dot_general3A_86 = arith.constant dense<0.000000e+00> : vector<16x4096xf32>
    %dot_general3A_87 = tpu.matmul %get3A_82, %get3A_85, %dot_general3A_86 {dimension_numbers = #tpu.dot_dimension_numbers<[1], [0], [0], [1], [0, 0, 1, 1], [], []>, transpose_lhs_hint = false} : vector<16x16xf32>, vector<16x4096xf32>, vector<16x4096xf32> -> vector<16x4096xf32>
    %get3A_88 = arith.constant 0 : index
    %get3A_89 = arith.constant 0 : index
    %get3A_90 = vector.load %arg18[%get3A_88, %get3A_89] : memref<16x16xf32, #tpu.memory_space<vmem>>, vector<16x16xf32>
    %get3A_91 = arith.constant 0 : index
    %get3A_92 = arith.constant 0 : index
    %get3A_93 = vector.load %arg12[%get3A_91, %get3A_92] : memref<16x4096xf32, #tpu.memory_space<vmem>>, vector<16x4096xf32>
    %dot_general3A_94 = arith.constant dense<0.000000e+00> : vector<16x4096xf32>
    %dot_general3A_95 = tpu.matmul %get3A_90, %get3A_93, %dot_general3A_94 {dimension_numbers = #tpu.dot_dimension_numbers<[1], [0], [0], [1], [0, 0, 1, 1], [], []>, transpose_lhs_hint = false} : vector<16x16xf32>, vector<16x4096xf32>, vector<16x4096xf32> -> vector<16x4096xf32>
    %get3A_96 = arith.constant 0 : index
    %get3A_97 = arith.constant 0 : index
    %get3A_98 = vector.load %arg18[%get3A_96, %get3A_97] : memref<16x16xf32, #tpu.memory_space<vmem>>, vector<16x16xf32>
    %get3A_99 = arith.constant 0 : index
    %get3A_100 = arith.constant 0 : index
    %get3A_101 = vector.load %arg13[%get3A_99, %get3A_100] : memref<16x4096xf32, #tpu.memory_space<vmem>>, vector<16x4096xf32>
    %dot_general3A_102 = arith.constant dense<0.000000e+00> : vector<16x4096xf32>
    %dot_general3A_103 = tpu.matmul %get3A_98, %get3A_101, %dot_general3A_102 {dimension_numbers = #tpu.dot_dimension_numbers<[1], [0], [0], [1], [0, 0, 1, 1], [], []>, transpose_lhs_hint = false} : vector<16x16xf32>, vector<16x4096xf32>, vector<16x4096xf32> -> vector<16x4096xf32>
    %get3A_104 = arith.constant 0 : index
    %get3A_105 = arith.constant 0 : index
    %get3A_106 = vector.load %arg18[%get3A_104, %get3A_105] : memref<16x16xf32, #tpu.memory_space<vmem>>, vector<16x16xf32>
    %get3A_107 = arith.constant 0 : index
    %get3A_108 = arith.constant 0 : index
    %get3A_109 = vector.load %arg14[%get3A_107, %get3A_108] : memref<16x4096xf32, #tpu.memory_space<vmem>>, vector<16x4096xf32>
    %dot_general3A_110 = arith.constant dense<0.000000e+00> : vector<16x4096xf32>
    %dot_general3A_111 = tpu.matmul %get3A_106, %get3A_109, %dot_general3A_110 {dimension_numbers = #tpu.dot_dimension_numbers<[1], [0], [0], [1], [0, 0, 1, 1], [], []>, transpose_lhs_hint = false} : vector<16x16xf32>, vector<16x4096xf32>, vector<16x4096xf32> -> vector<16x4096xf32>
    %get3A_112 = arith.constant 0 : index
    %get3A_113 = arith.constant 0 : index
    %get3A_114 = vector.load %arg18[%get3A_112, %get3A_113] : memref<16x16xf32, #tpu.memory_space<vmem>>, vector<16x16xf32>
    %get3A_115 = arith.constant 0 : index
    %get3A_116 = arith.constant 0 : index
    %get3A_117 = vector.load %arg15[%get3A_115, %get3A_116] : memref<16x4096xf32, #tpu.memory_space<vmem>>, vector<16x4096xf32>
    %dot_general3A_118 = arith.constant dense<0.000000e+00> : vector<16x4096xf32>
    %dot_general3A_119 = tpu.matmul %get3A_114, %get3A_117, %dot_general3A_118 {dimension_numbers = #tpu.dot_dimension_numbers<[1], [0], [0], [1], [0, 0, 1, 1], [], []>, transpose_lhs_hint = false} : vector<16x16xf32>, vector<16x4096xf32>, vector<16x4096xf32> -> vector<16x4096xf32>
    %get3A_120 = arith.constant 0 : index
    %get3A_121 = arith.constant 0 : index
    %get3A_122 = vector.load %arg18[%get3A_120, %get3A_121] : memref<16x16xf32, #tpu.memory_space<vmem>>, vector<16x16xf32>
    %get3A_123 = arith.constant 0 : index
    %get3A_124 = arith.constant 0 : index
    %get3A_125 = vector.load %arg16[%get3A_123, %get3A_124] : memref<16x4096xf32, #tpu.memory_space<vmem>>, vector<16x4096xf32>
    %dot_general3A_126 = arith.constant dense<0.000000e+00> : vector<16x4096xf32>
    %dot_general3A_127 = tpu.matmul %get3A_122, %get3A_125, %dot_general3A_126 {dimension_numbers = #tpu.dot_dimension_numbers<[1], [0], [0], [1], [0, 0, 1, 1], [], []>, transpose_lhs_hint = false} : vector<16x16xf32>, vector<16x4096xf32>, vector<16x4096xf32> -> vector<16x4096xf32>
    %concatenate3A_128 = tpu.concatenate %dot_general3A_71, %dot_general3A_79, %dot_general3A_87, %dot_general3A_95, %dot_general3A_103, %dot_general3A_111, %dot_general3A_119, %dot_general3A_127 in 0 : vector<16x4096xf32>, vector<16x4096xf32>, vector<16x4096xf32>, vector<16x4096xf32>, vector<16x4096xf32>, vector<16x4096xf32>, vector<16x4096xf32>, vector<16x4096xf32> -> vector<128x4096xf32>
    %transpose3A_129 = tpu.transpose %concatenate3A_128, [1, 0] : vector<128x4096xf32> -> vector<4096x128xf32>
    %swap3A_130 = arith.constant 0 : index
    %swap3A_131 = arith.constant 0 : index
    %swap3A_132 = vector.load %arg20[%swap3A_130, %swap3A_131] : memref<4096x128xf32, #tpu.memory_space<vmem>>, vector<4096x128xf32>
    tpu.vector_store %arg20[%swap3A_130, %swap3A_131], %transpose3A_129 {strides = array<i32>} : memref<4096x128xf32, #tpu.memory_space<vmem>>, vector<4096x128xf32>,
    return
  }
  func.func @transform_0(%arg0: i32) -> (i32, i32) {
    %add3A = arith.constant 0 : i32
    %add3A_0 = arith.addi %add3A, %arg0 : i32
    %min3A = arith.constant 244 : i32
    %min3A_1 = arith.minsi %add3A_0, %min3A : i32
    %c0_i32 = arith.constant 0 : i32
    %c0_i32_2 = arith.constant 0 : i32
    return %c0_i32, %min3A_1 : i32, i32
  }
  func.func @transform_1(%arg0: i32) -> (i32, i32) {
    %add3A = arith.constant 32 : i32
    %add3A_0 = arith.addi %add3A, %arg0 : i32
    %min3A = arith.constant 244 : i32
    %min3A_1 = arith.minsi %add3A_0, %min3A : i32
    %c0_i32 = arith.constant 0 : i32
    %c0_i32_2 = arith.constant 0 : i32
    return %c0_i32, %min3A_1 : i32, i32
  }
  func.func @transform_2(%arg0: i32) -> (i32, i32) {
    %add3A = arith.constant 64 : i32
    %add3A_0 = arith.addi %add3A, %arg0 : i32
    %min3A = arith.constant 244 : i32
    %min3A_1 = arith.minsi %add3A_0, %min3A : i32
    %c0_i32 = arith.constant 0 : i32
    %c0_i32_2 = arith.constant 0 : i32
    return %c0_i32, %min3A_1 : i32, i32
  }
  func.func @transform_3(%arg0: i32) -> (i32, i32) {
    %add3A = arith.constant 96 : i32
    %add3A_0 = arith.addi %add3A, %arg0 : i32
    %min3A = arith.constant 244 : i32
    %min3A_1 = arith.minsi %add3A_0, %min3A : i32
    %c0_i32 = arith.constant 0 : i32
    %c0_i32_2 = arith.constant 0 : i32
    return %c0_i32, %min3A_1 : i32, i32
  }
  func.func @transform_4(%arg0: i32) -> (i32, i32) {
    %add3A = arith.constant 128 : i32
    %add3A_0 = arith.addi %add3A, %arg0 : i32
    %min3A = arith.constant 244 : i32
    %min3A_1 = arith.minsi %add3A_0, %min3A : i32
    %c0_i32 = arith.constant 0 : i32
    %c0_i32_2 = arith.constant 0 : i32
    return %c0_i32, %min3A_1 : i32, i32
  }
  func.func @transform_5(%arg0: i32) -> (i32, i32) {
    %add3A = arith.constant 160 : i32
    %add3A_0 = arith.addi %add3A, %arg0 : i32
    %min3A = arith.constant 244 : i32
    %min3A_1 = arith.minsi %add3A_0, %min3A : i32
    %c0_i32 = arith.constant 0 : i32
    %c0_i32_2 = arith.constant 0 : i32
    return %c0_i32, %min3A_1 : i32, i32
  }
  func.func @transform_6(%arg0: i32) -> (i32, i32) {
    %add3A = arith.constant 192 : i32
    %add3A_0 = arith.addi %add3A, %arg0 : i32
    %min3A = arith.constant 244 : i32
    %min3A_1 = arith.minsi %add3A_0, %min3A : i32
    %c0_i32 = arith.constant 0 : i32
    %c0_i32_2 = arith.constant 0 : i32
    return %c0_i32, %min3A_1 : i32, i32
  }
  func.func @transform_7(%arg0: i32) -> (i32, i32) {
    %add3A = arith.constant 224 : i32
    %add3A_0 = arith.addi %add3A, %arg0 : i32
    %min3A = arith.constant 244 : i32
    %min3A_1 = arith.minsi %add3A_0, %min3A : i32
    %c0_i32 = arith.constant 0 : i32
    %c0_i32_2 = arith.constant 0 : i32
    return %c0_i32, %min3A_1 : i32, i32
  }
  func.func @transform_8(%arg0: i32) -> (i32, i32) {
    %add3A = arith.constant 0 : i32
    %add3A_0 = arith.addi %add3A, %arg0 : i32
    %min3A = arith.constant 244 : i32
    %min3A_1 = arith.minsi %add3A_0, %min3A : i32
    %c0_i32 = arith.constant 0 : i32
    %c0_i32_2 = arith.constant 0 : i32
    return %c0_i32, %min3A_1 : i32, i32
  }
  func.func @transform_9(%arg0: i32) -> (i32, i32) {
    %add3A = arith.constant 32 : i32
    %add3A_0 = arith.addi %add3A, %arg0 : i32
    %min3A = arith.constant 244 : i32
    %min3A_1 = arith.minsi %add3A_0, %min3A : i32
    %c0_i32 = arith.constant 0 : i32
    %c0_i32_2 = arith.constant 0 : i32
    return %c0_i32, %min3A_1 : i32, i32
  }
  func.func @transform_10(%arg0: i32) -> (i32, i32) {
    %add3A = arith.constant 64 : i32
    %add3A_0 = arith.addi %add3A, %arg0 : i32
    %min3A = arith.constant 244 : i32
    %min3A_1 = arith.minsi %add3A_0, %min3A : i32
    %c0_i32 = arith.constant 0 : i32
    %c0_i32_2 = arith.constant 0 : i32
    return %c0_i32, %min3A_1 : i32, i32
  }
  func.func @transform_11(%arg0: i32) -> (i32, i32) {
    %add3A = arith.constant 96 : i32
    %add3A_0 = arith.addi %add3A, %arg0 : i32
    %min3A = arith.constant 244 : i32
    %min3A_1 = arith.minsi %add3A_0, %min3A : i32
    %c0_i32 = arith.constant 0 : i32
    %c0_i32_2 = arith.constant 0 : i32
    return %c0_i32, %min3A_1 : i32, i32
  }
  func.func @transform_12(%arg0: i32) -> (i32, i32) {
    %add3A = arith.constant 128 : i32
    %add3A_0 = arith.addi %add3A, %arg0 : i32
    %min3A = arith.constant 244 : i32
    %min3A_1 = arith.minsi %add3A_0, %min3A : i32
    %c0_i32 = arith.constant 0 : i32
    %c0_i32_2 = arith.constant 0 : i32
    return %c0_i32, %min3A_1 : i32, i32
  }
  func.func @transform_13(%arg0: i32) -> (i32, i32) {
    %add3A = arith.constant 160 : i32
    %add3A_0 = arith.addi %add3A, %arg0 : i32
    %min3A = arith.constant 244 : i32
    %min3A_1 = arith.minsi %add3A_0, %min3A : i32
    %c0_i32 = arith.constant 0 : i32
    %c0_i32_2 = arith.constant 0 : i32
    return %c0_i32, %min3A_1 : i32, i32
  }
  func.func @transform_14(%arg0: i32) -> (i32, i32) {
    %add3A = arith.constant 192 : i32
    %add3A_0 = arith.addi %add3A, %arg0 : i32
    %min3A = arith.constant 244 : i32
    %min3A_1 = arith.minsi %add3A_0, %min3A : i32
    %c0_i32 = arith.constant 0 : i32
    %c0_i32_2 = arith.constant 0 : i32
    return %c0_i32, %min3A_1 : i32, i32
  }
  func.func @transform_15(%arg0: i32) -> (i32, i32) {
    %add3A = arith.constant 224 : i32
    %add3A_0 = arith.addi %add3A, %arg0 : i32
    %min3A = arith.constant 244 : i32
    %min3A_1 = arith.minsi %add3A_0, %min3A : i32
    %c0_i32 = arith.constant 0 : i32
    %c0_i32_2 = arith.constant 0 : i32
    return %c0_i32, %min3A_1 : i32, i32
  }
  func.func @transform_16(%arg0: i32) -> (i32, i32) {
    %c0_i32 = arith.constant 0 : i32
    %c0_i32_0 = arith.constant 0 : i32
    %c0_i32_1 = arith.constant 0 : i32
    return %c0_i32, %c0_i32_0 : i32, i32
  }
  func.func @transform_17(%arg0: i32) -> (i32, i32) {
    %c0_i32 = arith.constant 0 : i32
    %c0_i32_0 = arith.constant 0 : i32
    %c0_i32_1 = arith.constant 0 : i32
    return %c0_i32, %c0_i32_0 : i32, i32
  }
  func.func @transform_18(%arg0: i32) -> (i32, i32) {
    %c0_i32 = arith.constant 0 : i32
    %c0_i32_0 = arith.constant 0 : i32
    return %arg0, %c0_i32 : i32, i32
  }
  func.func @transform_19(%arg0: i32) -> (i32, i32) {
    %c0_i32 = arith.constant 0 : i32
    %c0_i32_0 = arith.constant 0 : i32
    return %arg0, %c0_i32 : i32, i32
  }
}

module attributes {stable_mosaic.version = 14 : i64} {
  func.func @_mlp_body(%arg0: i32, %arg1: memref<4096x128xf32, #tpu.memory_space<vmem>>, %arg2: memref<4096x128xf32, #tpu.memory_space<vmem>>, %arg3: memref<4096x8xf32, #tpu.memory_space<vmem>>, %arg4: memref<4096x8xf32, #tpu.memory_space<vmem>>, %arg5: memref<8x128xf32, #tpu.memory_space<vmem>>, %arg6: memref<128x16xf32, #tpu.memory_space<vmem>>, %arg7: memref<1x16xf32, #tpu.memory_space<vmem>>, %arg8: memref<16x8xf32, #tpu.memory_space<vmem>>, %arg9: memref<1x8xf32, #tpu.memory_space<vmem>>, %arg10: memref<1x8xf32, #tpu.memory_space<vmem>>, %arg11: memref<1x1xf32, #tpu.memory_space<vmem>>, %arg12: memref<4096x1xf32, #tpu.memory_space<vmem>>) attributes {dimension_semantics = [#tpu.dimension_semantics<arbitrary>], iteration_bounds = array<i64: 4>, scalar_prefetch = 0 : i64, scratch_operands = 0 : i64, tpu.core_type = #tpu.core_type<tc>, window_params = [{transform_indices = @transform_0, window_bounds = array<i64: 4096, 128>}, {transform_indices = @transform_1, window_bounds = array<i64: 4096, 128>}, {transform_indices = @transform_2, window_bounds = array<i64: 4096, 8>}, {transform_indices = @transform_3, window_bounds = array<i64: 4096, 8>}, {pipeline_mode = #tpu.pipeline_mode<synchronous>, transform_indices = @transform_4, window_bounds = array<i64: 8, 128>}, {pipeline_mode = #tpu.pipeline_mode<synchronous>, transform_indices = @transform_5, window_bounds = array<i64: 128, 16>}, {pipeline_mode = #tpu.pipeline_mode<synchronous>, transform_indices = @transform_6, window_bounds = array<i64: 1, 16>}, {pipeline_mode = #tpu.pipeline_mode<synchronous>, transform_indices = @transform_7, window_bounds = array<i64: 16, 8>}, {pipeline_mode = #tpu.pipeline_mode<synchronous>, transform_indices = @transform_8, window_bounds = array<i64: 1, 8>}, {pipeline_mode = #tpu.pipeline_mode<synchronous>, transform_indices = @transform_9, window_bounds = array<i64: 1, 8>}, {pipeline_mode = #tpu.pipeline_mode<synchronous>, transform_indices = @transform_10, window_bounds = array<i64: 1, 1>}, {transform_indices = @transform_11, window_bounds = array<i64: 4096, 1>}]} {
    %get3A = arith.constant 0 : index
    %get3A_0 = arith.constant 0 : index
    %get3A_1 = vector.load %arg3[%get3A, %get3A_0] : memref<4096x8xf32, #tpu.memory_space<vmem>>, vector<4096x8xf32>
    %get3A_2 = arith.constant 0 : index
    %get3A_3 = arith.constant 0 : index
    %get3A_4 = vector.load %arg5[%get3A_2, %get3A_3] : memref<8x128xf32, #tpu.memory_space<vmem>>, vector<8x128xf32>
    %dot_general3A = arith.constant dense<0.000000e+00> : vector<4096x128xf32>
    %dot_general3A_5 = tpu.matmul %get3A_1, %get3A_4, %dot_general3A {dimension_numbers = #tpu.dot_dimension_numbers<[1], [0], [0], [1], [0, 0, 1, 1], [], []>, transpose_lhs_hint = false} : vector<4096x8xf32>, vector<8x128xf32>, vector<4096x128xf32> -> vector<4096x128xf32>
    %get3A_6 = arith.constant 0 : index
    %get3A_7 = arith.constant 0 : index
    %get3A_8 = vector.load %arg1[%get3A_6, %get3A_7] : memref<4096x128xf32, #tpu.memory_space<vmem>>, vector<4096x128xf32>
    %mul3A = arith.mulf %get3A_8, %dot_general3A_5 : vector<4096x128xf32>
    %get3A_9 = arith.constant 0 : index
    %get3A_10 = arith.constant 0 : index
    %get3A_11 = vector.load %arg6[%get3A_9, %get3A_10] : memref<128x16xf32, #tpu.memory_space<vmem>>, vector<128x16xf32>
    %dot_general3A_12 = arith.constant dense<0.000000e+00> : vector<4096x16xf32>
    %dot_general3A_13 = tpu.matmul %mul3A, %get3A_11, %dot_general3A_12 {dimension_numbers = #tpu.dot_dimension_numbers<[1], [0], [0], [1], [0, 0, 1, 1], [], []>, transpose_lhs_hint = false} : vector<4096x128xf32>, vector<128x16xf32>, vector<4096x16xf32> -> vector<4096x16xf32>
    %get3A_14 = arith.constant 0 : index
    %get3A_15 = arith.constant 0 : index
    %get3A_16 = vector.load %arg4[%get3A_14, %get3A_15] : memref<4096x8xf32, #tpu.memory_space<vmem>>, vector<4096x8xf32>
    %get3A_17 = arith.constant 0 : index
    %get3A_18 = arith.constant 0 : index
    %get3A_19 = vector.load %arg5[%get3A_17, %get3A_18] : memref<8x128xf32, #tpu.memory_space<vmem>>, vector<8x128xf32>
    %dot_general3A_20 = arith.constant dense<0.000000e+00> : vector<4096x128xf32>
    %dot_general3A_21 = tpu.matmul %get3A_16, %get3A_19, %dot_general3A_20 {dimension_numbers = #tpu.dot_dimension_numbers<[1], [0], [0], [1], [0, 0, 1, 1], [], []>, transpose_lhs_hint = false} : vector<4096x8xf32>, vector<8x128xf32>, vector<4096x128xf32> -> vector<4096x128xf32>
    %get3A_22 = arith.constant 0 : index
    %get3A_23 = arith.constant 0 : index
    %get3A_24 = vector.load %arg2[%get3A_22, %get3A_23] : memref<4096x128xf32, #tpu.memory_space<vmem>>, vector<4096x128xf32>
    %mul3A_25 = arith.mulf %get3A_24, %dot_general3A_21 : vector<4096x128xf32>
    %get3A_26 = arith.constant 0 : index
    %get3A_27 = arith.constant 0 : index
    %get3A_28 = vector.load %arg6[%get3A_26, %get3A_27] : memref<128x16xf32, #tpu.memory_space<vmem>>, vector<128x16xf32>
    %dot_general3A_29 = arith.constant dense<0.000000e+00> : vector<4096x16xf32>
    %dot_general3A_30 = tpu.matmul %mul3A_25, %get3A_28, %dot_general3A_29 {dimension_numbers = #tpu.dot_dimension_numbers<[1], [0], [0], [1], [0, 0, 1, 1], [], []>, transpose_lhs_hint = false} : vector<4096x128xf32>, vector<128x16xf32>, vector<4096x16xf32> -> vector<4096x16xf32>
    %add3A = arith.addf %dot_general3A_13, %dot_general3A_30 : vector<4096x16xf32>
    %get3A_31 = arith.constant 0 : index
    %get3A_32 = arith.constant 0 : index
    %get3A_33 = vector.load %arg7[%get3A_31, %get3A_32] : memref<1x16xf32, #tpu.memory_space<vmem>>, vector<1x16xf32>
    %add3A_34 = vector.broadcast %get3A_33 : vector<1x16xf32> to vector<4096x16xf32>
    %add3A_35 = arith.addf %add3A, %add3A_34 : vector<4096x16xf32>
    %max3A = arith.constant 0.000000e+00 : f32
    %max3A_36 = vector.broadcast %max3A : f32 to vector<4096x16xf32>
    %max3A_37 = arith.maximumf %add3A_35, %max3A_36 : vector<4096x16xf32>
    %get3A_38 = arith.constant 0 : index
    %get3A_39 = arith.constant 0 : index
    %get3A_40 = vector.load %arg8[%get3A_38, %get3A_39] : memref<16x8xf32, #tpu.memory_space<vmem>>, vector<16x8xf32>
    %dot_general3A_41 = arith.constant dense<0.000000e+00> : vector<4096x8xf32>
    %dot_general3A_42 = tpu.matmul %max3A_37, %get3A_40, %dot_general3A_41 {dimension_numbers = #tpu.dot_dimension_numbers<[1], [0], [0], [1], [0, 0, 1, 1], [], []>, transpose_lhs_hint = false} : vector<4096x16xf32>, vector<16x8xf32>, vector<4096x8xf32> -> vector<4096x8xf32>
    %get3A_43 = arith.constant 0 : index
    %get3A_44 = arith.constant 0 : index
    %get3A_45 = vector.load %arg9[%get3A_43, %get3A_44] : memref<1x8xf32, #tpu.memory_space<vmem>>, vector<1x8xf32>
    %add3A_46 = vector.broadcast %get3A_45 : vector<1x8xf32> to vector<4096x8xf32>
    %add3A_47 = arith.addf %dot_general3A_42, %add3A_46 : vector<4096x8xf32>
    %max3A_48 = arith.constant 0.000000e+00 : f32
    %max3A_49 = vector.broadcast %max3A_48 : f32 to vector<4096x8xf32>
    %max3A_50 = arith.maximumf %add3A_47, %max3A_49 : vector<4096x8xf32>
    %get3A_51 = arith.constant 0 : index
    %get3A_52 = arith.constant 0 : index
    %get3A_53 = vector.load %arg10[%get3A_51, %get3A_52] : memref<1x8xf32, #tpu.memory_space<vmem>>, vector<1x8xf32>
    %mul3A_54 = vector.broadcast %get3A_53 : vector<1x8xf32> to vector<4096x8xf32>
    %mul3A_55 = arith.mulf %max3A_50, %mul3A_54 : vector<4096x8xf32>
    %reduce_sum3A = arith.constant dense<0.000000e+00> : vector<4096xf32>
    %reduce_sum3A_56 = vector.multi_reduction <add>, %mul3A_55, %reduce_sum3A [1] : vector<4096x8xf32> to vector<4096xf32>
    %broadcast_in_dim3A = vector.shape_cast %reduce_sum3A_56 : vector<4096xf32> to vector<4096x1xf32>
    %get3A_57 = arith.constant 0 : index
    %get3A_58 = arith.constant 0 : index
    %get3A_59 = vector.load %arg11[%get3A_57, %get3A_58] : memref<1x1xf32, #tpu.memory_space<vmem>>, vector<1x1xf32>
    %add3A_60 = vector.broadcast %get3A_59 : vector<1x1xf32> to vector<4096x1xf32>
    %add3A_61 = arith.addf %broadcast_in_dim3A, %add3A_60 : vector<4096x1xf32>
    %neg3A = arith.constant 0.000000e+00 : f32
    %neg3A_62 = vector.broadcast %neg3A : f32 to vector<4096x1xf32>
    %neg3A_63 = arith.subf %neg3A_62, %add3A_61 : vector<4096x1xf32>
    %exp3A = math.exp %neg3A_63 : vector<4096x1xf32>
    %add3A_64 = arith.constant 1.000000e+00 : f32
    %add3A_65 = vector.broadcast %add3A_64 : f32 to vector<4096x1xf32>
    %add3A_66 = arith.addf %add3A_65, %exp3A : vector<4096x1xf32>
    %div3A = arith.constant 1.000000e+00 : f32
    %div3A_67 = vector.broadcast %div3A : f32 to vector<4096x1xf32>
    %div3A_68 = arith.divf %div3A_67, %add3A_66 : vector<4096x1xf32>
    %swap3A = arith.constant 0 : index
    %swap3A_69 = arith.constant 0 : index
    %swap3A_70 = vector.load %arg12[%swap3A, %swap3A_69] : memref<4096x1xf32, #tpu.memory_space<vmem>>, vector<4096x1xf32>
    tpu.vector_store %arg12[%swap3A, %swap3A_69], %div3A_68 {strides = array<i32>} : memref<4096x1xf32, #tpu.memory_space<vmem>>, vector<4096x1xf32>,
    return
  }
  func.func @transform_0(%arg0: i32) -> (i32, i32) {
    %c0_i32 = arith.constant 0 : i32
    %c0_i32_0 = arith.constant 0 : i32
    return %arg0, %c0_i32 : i32, i32
  }
  func.func @transform_1(%arg0: i32) -> (i32, i32) {
    %c0_i32 = arith.constant 0 : i32
    %c0_i32_0 = arith.constant 0 : i32
    return %arg0, %c0_i32 : i32, i32
  }
  func.func @transform_2(%arg0: i32) -> (i32, i32) {
    %c0_i32 = arith.constant 0 : i32
    %c0_i32_0 = arith.constant 0 : i32
    return %arg0, %c0_i32 : i32, i32
  }
  func.func @transform_3(%arg0: i32) -> (i32, i32) {
    %c0_i32 = arith.constant 0 : i32
    %c0_i32_0 = arith.constant 0 : i32
    return %arg0, %c0_i32 : i32, i32
  }
  func.func @transform_4(%arg0: i32) -> (i32, i32) {
    %c0_i32 = arith.constant 0 : i32
    %c0_i32_0 = arith.constant 0 : i32
    %c0_i32_1 = arith.constant 0 : i32
    return %c0_i32, %c0_i32_0 : i32, i32
  }
  func.func @transform_5(%arg0: i32) -> (i32, i32) {
    %c0_i32 = arith.constant 0 : i32
    %c0_i32_0 = arith.constant 0 : i32
    %c0_i32_1 = arith.constant 0 : i32
    return %c0_i32, %c0_i32_0 : i32, i32
  }
  func.func @transform_6(%arg0: i32) -> (i32, i32) {
    %c0_i32 = arith.constant 0 : i32
    %c0_i32_0 = arith.constant 0 : i32
    %c0_i32_1 = arith.constant 0 : i32
    return %c0_i32, %c0_i32_0 : i32, i32
  }
  func.func @transform_7(%arg0: i32) -> (i32, i32) {
    %c0_i32 = arith.constant 0 : i32
    %c0_i32_0 = arith.constant 0 : i32
    %c0_i32_1 = arith.constant 0 : i32
    return %c0_i32, %c0_i32_0 : i32, i32
  }
  func.func @transform_8(%arg0: i32) -> (i32, i32) {
    %c0_i32 = arith.constant 0 : i32
    %c0_i32_0 = arith.constant 0 : i32
    %c0_i32_1 = arith.constant 0 : i32
    return %c0_i32, %c0_i32_0 : i32, i32
  }
  func.func @transform_9(%arg0: i32) -> (i32, i32) {
    %c0_i32 = arith.constant 0 : i32
    %c0_i32_0 = arith.constant 0 : i32
    %c0_i32_1 = arith.constant 0 : i32
    return %c0_i32, %c0_i32_0 : i32, i32
  }
  func.func @transform_10(%arg0: i32) -> (i32, i32) {
    %c0_i32 = arith.constant 0 : i32
    %c0_i32_0 = arith.constant 0 : i32
    %c0_i32_1 = arith.constant 0 : i32
    return %c0_i32, %c0_i32_0 : i32, i32
  }
  func.func @transform_11(%arg0: i32) -> (i32, i32) {
    %c0_i32 = arith.constant 0 : i32
    %c0_i32_0 = arith.constant 0 : i32
    return %arg0, %c0_i32 : i32, i32
  }
}

</mosaic_0001>

<sc_bundles>
// kernel: kernel.5.cloned.1.call-start
scs
__scs_entry_jumppad:
0x0: {  	(pc) =	sbr.rel $0x88, $3  }
0x1: {  	(tag) =	ssettag $0x0;
	lr =	simm.s32 $0x1  }
0x2: {  	[smem:$0x3F97] =	sst lr;
	_ =	strace $0xD0000000  }
0x3: {  	_ = 	snop  }
0x4: {  	_ = 	snop  }
0x5: {  	_ = 	snop  }
0x6: {  	_ = 	snop  }
0x7: {  	_ = 	snop  }
__scs_overlays_trampoline_lowered:
0x8: {  	[smem:$0x3FA6] =	sst s0  }
0x9: {  	[smem:$0x3FA7] =	sst s1  }
0xa: {  	[smem:$0x3FA8] =	sst s2  }
0xb: {  	[smem:$0x3FA9] =	sst s3  }
0xc: {  	[smem:$0x3FAA] =	sst s4  }
0xd: {  	[smem:$0x3FAB] =	sst s5  }
0xe: {  	[smem:$0x3FAC] =	sst s6  }
0xf: {  	[smem:$0x3FAD] =	sst s7  }
0x10: {  	[smem:$0x3FAE] =	sst s8  }
0x11: {  	[smem:$0x3FAF] =	sst s9;
	s0 =	simm.s32 @!p0 $0x0  }
0x12: {  	s1 =	sld [smem:$0x3F95];
	s0 =	simm.s32 @p0 $0x1  }
0x13: {  	[smem:$0x3FB0] =	sst s0;
	s0 =	simm.s32 @!p1 $0x0  }
0x14: {  	s2 =	sld [smem:$0x3F94];
	s0 =	simm.s32 @p1 $0x1  }
0x15: {  	[smem:$0x3FB1] =	sst s0;
	s0 =	simm.s32 @!p2 $0x0  }
0x16: {  	s3 =	sld [smem:$0x3FDB];
	s0 =	simm.s32 @p2 $0x1  }
0x17: {  	s4 =	simm.s32 $0x1BF5;
	[smem:$0x3FB3] =	sst s0  }
0x18: {  	s0 =	sld [smem:$0x3F96];
	_ =	swait.ge [sflag:s4], $0x0  }
0x19: {  	s7 =	sld [smem:$0x3F97]  }
0x1a: {  	s8 =	sadd.s32 $0xFFFFE003, lr  }
0x1b: {  	s9 =	sadd.s32 $0xFFFFFEF7, lr;
	s5 =	simm.s32 $0xFFFFFFFF;
	p2 =	slt.u32 s8, $0xFFFFF086  }
0x1c: {  	p1 =	slt.u32 s9, $0xF7A;
	s5 =	simm.s32 @!p2 $0x0  }
0x1d: {  	s5 =	simm.s32 @p1 $0x1;
	p0 =	seq.s32 s7, s2  }
0x1e: {  	s7 =	smul.u32 @!p0 $0xF7A, s2;
	p2 =	seq.s32 @!p0 s5, $0x0  }
0x1f: {  	s9 =	smul.u32 $0xF7A, s1;
	s8 =	simm.s32 @!p0 $0x1BF5;
	p2 =	por !p2, p0  }
0x20: {  	[sflag:s8] =	ssyncset.s32 @!p0 $0xFFFFF086;
	s6 =	sadd.s32 @!p0 s3, s7;
	s7 =	simm.s32 @!p0 $0x108  }
0x21: {  	s3 =	sadd.s32 s3, s9;
	s6 =	sadd.s32 @!p0 $0x88, s6;
	s7 =	simm.s32 @p2 $0x1082  }
0x22: {  	[simem:s7], [sflag:s8] =	dma.local @!p0 [hbm:s6], $0xF7A  }
0x23: {  	s9 =	sor.u32 $0xD0000000, s2;
	s6 =	simm.s32 $0x108;
	_ =	swait.ge @!p0 [sflag:s8], $0x0  }
0x24: {  	s3 =	sadd.s32 $0x88, s3;
	s6 =	simm.s32 @!p1 $0x1082;
	[sflag:s4] =	ssyncset.s32 $0xFFFFF086  }
0x25: {  	[simem:s6], [sflag:s4] =	dma.local [hbm:s3], $0xF7A  }
0x26: {  	[smem:$0x3F97] =	sst s1;
	(tag) =	ssettag s2;
	_ =	strace s9  }
0x27: {  	s1 =	sld [smem:$0x3FA7]  }
0x28: {  	s2 =	sld [smem:$0x3FA8]  }
0x29: {  	s4 =	sld [smem:$0x3FAA]  }
0x2a: {  	p0 =	seq.s32 s5, $0x0;
	s5 =	sld [smem:$0x3FAB]  }
0x2b: {  	s6 =	sld [smem:$0x3FAC]  }
0x2c: {  	s7 =	sld [smem:$0x3FAD]  }
0x2d: {  	s3 =	simm.s32 $0x108;
	s8 =	sld [smem:$0x3FAE]  }
0x2e: {  	s3 =	simm.s32 @!p0 $0x1082;
	s9 =	sld [smem:$0x3FAF]  }
0x2f: {  	lr =	sadd.s32 s0, s3;
	s0 =	sld [smem:$0x3FA6]  }
0x30: {  	s3 =	sld [smem:$0x3FA9]  }
0x31: {  	[smem:$0x3FB2] =	sst s10  }
0x32: {  	s10 =	sld [smem:$0x3FB0];
	_ =	sdelay $0x3  }
0x33: {  	p0 =	seq.s32 s10, $0x1;
	s10 =	sld [smem:$0x3FB2];
	_ =	sdelay $0x3  }
0x34: {  	[smem:$0x3FB2] =	sst s10  }
0x35: {  	s10 =	sld [smem:$0x3FB1];
	_ =	sdelay $0x3  }
0x36: {  	p1 =	seq.s32 s10, $0x1;
	s10 =	sld [smem:$0x3FB2];
	_ =	sdelay $0x3  }
0x37: {  	[smem:$0x3FB2] =	sst s10  }
0x38: {  	s10 =	sld [smem:$0x3FB3]  }
0x39: {  	_ = 	snop;
	(pc) =	sbr.ind lr, $3  }
0x3a: {  	_ = 	snop  }
0x3b: {  	_ = 	snop  }
0x3c: {  	p2 =	seq.s32 s10, $0x1;
	s10 =	sld [smem:$0x3FB2]  }
0x3d: {  	_ =	shalt  }
0x3e: {  	_ =	shalt  }
0x3f: {  	_ =	shalt  }
0x40: {  	_ =	shalt  }
0x41: {  	_ =	shalt  }
0x42: {  	_ =	shalt  }
0x43: {  	_ =	shalt  }
0x44: {  	_ =	shalt  }
0x45: {  	_ =	shalt  }
0x46: {  	_ =	shalt  }
0x47: {  	_ =	shalt  }
0x48: {  	_ =	shalt  }
0x49: {  	_ =	shalt  }
0x4a: {  	_ =	shalt  }
0x4b: {  	_ =	shalt  }
0x4c: {  	_ =	shalt  }
0x4d: {  	_ =	shalt  }
0x4e: {  	_ =	shalt  }
0x4f: {  	_ =	shalt  }
0x50: {  	_ =	shalt  }
0x51: {  	_ =	shalt  }
0x52: {  	_ =	shalt  }
0x53: {  	_ =	shalt  }
0x54: {  	_ =	shalt  }
0x55: {  	_ =	shalt  }
0x56: {  	_ =	shalt  }
0x57: {  	_ =	shalt  }
0x58: {  	_ =	shalt  }
0x59: {  	_ =	shalt  }
0x5a: {  	_ =	shalt  }
0x5b: {  	_ =	shalt  }
0x5c: {  	_ =	shalt  }
0x5d: {  	_ =	shalt  }
0x5e: {  	_ =	shalt  }
0x5f: {  	_ =	shalt  }
0x60: {  	_ =	shalt  }
0x61: {  	_ =	shalt  }
0x62: {  	_ =	shalt  }
0x63: {  	_ =	shalt  }
0x64: {  	_ =	shalt  }
0x65: {  	_ =	shalt  }
0x66: {  	_ =	shalt  }
0x67: {  	_ =	shalt  }
0x68: {  	_ =	shalt  }
0x69: {  	_ =	shalt  }
0x6a: {  	_ =	shalt  }
0x6b: {  	_ =	shalt  }
0x6c: {  	_ =	shalt  }
0x6d: {  	_ =	shalt  }
0x6e: {  	_ =	shalt  }
0x6f: {  	_ =	shalt  }
0x70: {  	_ =	shalt  }
0x71: {  	_ =	shalt  }
0x72: {  	_ =	shalt  }
0x73: {  	_ =	shalt  }
0x74: {  	_ =	shalt  }
0x75: {  	_ =	shalt  }
0x76: {  	_ =	shalt  }
0x77: {  	_ =	shalt  }
0x78: {  	_ =	shalt  }
0x79: {  	_ =	shalt  }
0x7a: {  	_ =	shalt  }
0x7b: {  	_ =	shalt  }
0x7c: {  	_ =	shalt  }
0x7d: {  	_ =	shalt  }
0x7e: {  	_ =	shalt  }
0x7f: {  	_ =	shalt  }
0x80: {  	_ =	shalt  }
0x81: {  	_ =	shalt  }
0x82: {  	_ =	shalt  }
0x83: {  	_ =	shalt  }
0x84: {  	_ =	shalt  }
0x85: {  	_ =	shalt  }
0x86: {  	_ =	shalt  }
0x87: {  	_ =	shalt  }
.Lfunc_end0:
.L_simem_size_0:
called_computation_lowered:
.L_overlay_start_0:
0x88: {  	s2 =	sld [smem:$0x3FD9]  }
0x89: {  	s3 =	sld [smem:$0x3FFE];
	_ =	sdelay $0x1  }
0x8a: {  	s1 =	srdreg.scid  }
0x8b: {  	s0 =	sand.u32 $0x1, s1  }
0x8c: {  	s17 =	sshll.u32 s0, $0xA;
	s2 =	sadd.s32 s3, s2  }
0x8d: {  	s2 =	sadd.s32 s2, s17  }
0x8e: {  	[smem:$0x3FBE] =	sst s2  }
0x8f: {  	_ = 	snop  }
0x90: {  	s2 =	sld [smem:$0x3FC9]  }
0x91: {  	s18 =	sld [smem:$0x3FC8];
	(tm) =	ssettm $0x1  }
0x92: {  	s4 =	sld [smem:$0x3FFB];
	_ =	sdelay $0x3  }
0x93: {  	_ =	strace s4  }
0x94: {  	s4 =	sld [smem:$0x3FFC];
	_ =	sdelay $0x3  }
0x95: {  	_ =	strace s4  }
0x96: {  	s4 =	sld [smem:$0x3FFD];
	_ =	sdelay $0x3  }
0x97: {  	_ =	strace s4  }
0x98: {  	_ =	strace $0x8FFFFFFF  }
0x99: {  	s19 =	sld [smem:$0x3FDB];
	_ =	sdelay $0x1  }
0x9a: {  	s5 =	simm.s32 $_scs_section_size  }
0x9b: {  	s6 =	simm.s32 $_size__tile_overlayer_lowered;
	s7 =	simm.s32 $_tile_overlayer_lowered  }
0x9c: {  	s22 =	simm.s32 $0x1BFF;
	s21 =	sshll.u32 s7, $0x1;
	s4 =	sadd.s32 s5, s19  }
0x9d: {  	s8 =	simm.s32 $0x0;
	s20 =	sshll.u32 s6, $0x1;
	s6 =	sadd.s32 s21, s4  }
0x9e: {  	[timem:s8], [sflag:s22] =	dma.local [hbm:s6], s20  }
0x9f: {  	_ =	swait.ge [sflag:s22], s20  }
0xa0: {  	s5 =	ssub.s32 $0x0, s20;
	[sflag:s22] =	ssyncset.done $0x0  }
0xa1: {  	[sflag:s22] =	ssyncadd.s32 s5;
	_ =	sdelay $0x1  }
0xa2: {  	s23 =	simm.s32 $0x1B8B  }
0xa3: {  	_ =	swait.ge [sflag:s23], $0x1  }
0xa4: {  	[sflag:s23] =	ssyncset.done $0x0  }
0xa5: {  	s25 =	simm.s32 $0x1B8E;
	s24 =	sld [smem:$0x3FFE];
	[sflag:s23] =	ssyncadd.s32 $0xFFFFFFFF  }
0xa6: {  	s26 =	simm.s32 $execute0_lowered;
	[smem:$0x3FD2] =	sst s25  }
0xa7: {  	s6 =	sshll.u32 s26, $0x1;
	_ =	strace $0x80000046;
	[dreg:$0x1] =	wrdreg $0xFFFFFFFF  }
0xa8: {  	s28 =	simm.s32 $_size_execute0_lowered;
	s4 =	sadd.s32 s4, s6;
	[dreg:$0x0] =	wrdreg $0x0  }
0xa9: {  	s6 =	sshll.u32 s28, $0x1;
	[dreg:$0x2] =	wrdreg s4  }
0xaa: {  	[dreg:$0x3] =	wrdreg s6  }
0xab: {  	[dreg:$0x4] =	wrdreg $0xC0  }
0xac: {  	_ =	task [dreg:s8], $0x5FFFF  }
0xad: {  	[dreg:$0x1] =	wrdreg $0xFFFFFFFF  }
0xae: {  	[dreg:$0x0] =	wrdreg $0x60  }
0xaf: {  	[dreg:$0x2] =	wrdreg s24  }
0xb0: {  	[dreg:$0x3] =	wrdreg s2  }
0xb1: {  	[dreg:$0x4] =	wrdreg s18  }
0xb2: {  	[dreg:$0x5] =	wrdreg $0x9  }
0xb3: {  	_ =	task.clear_ibuf [dreg:s8], $0x6FFFF;
	_ =	strace $0x90000046  }
0xb4: {  	s29 =	simm.s32 $0x9;
	_ =	strace $0x80000048  }
0xb5: {  	_ =	swait.ge [sflag:s29], $0x1  }
0xb6: {  	[sflag:s29] =	ssyncadd.s32 $0xFFFFFFFF  }
0xb7: {  	_ =	strace $0x90000048  }
0xb8: {  	_ =	sfence  }
0xb9: {  	s30 =	sld [smem:$0x0];
	_ =	sdelay $0x2  }
0xba: {  	s31 =	sshll.u32 s1, $0xD;
	s1 =	sshrl.u32 s1, $0x2  }
0xbb: {  	s3 =	sand.u32 $0x4000, s31;
	s1 =	sadd.s32 s1, s30  }
0xbc: {  	s0 =	sor.u32 s3, s0;
	s1 =	sshll.u32 s1, $0x11  }
0xbd: {  	s0 =	sor.u32 s1, s0  }
0xbe: {  	s0 =	sadd.s32 $0x8F2B, s0  }
0xbf: {  	[sflag:s0] =	ssyncadd.remote.s32 $0x1  }
0xc0: {  	_ =	sfence.sel $0xFFFF  }
0xc1: {  	[dreg:$0x0] =	wrdreg $0xFFFFFFFF;
	(pc) =	sbr.abs _section_cstart, $3  }
0xc2: {  	[dreg:$0x1] =	wrdreg $0xFFFFFFFF  }
0xc3: {  	_ =	task.clear_ibuf [dreg:s8], $0x2FFFF;
	_ =	strace $0x9FFFFFFF  }
0xc4: {  	(tm) =	ssettm $0x7FFFFFFF  }
0xc5: {  	_ =	shalt  }
tec
execute0_lowered:
.L_overlay_start_1:
0x0: {  	(tag) =	ssettag $0x1  }
0x1: {  	s0 =	rddreg [dreg:$0x0]  }
0x2: {  	s5 =	rddreg [dreg:$0x1]  }
0x3: {  	s6 =	rddreg [dreg:$0x2];
	s2 =	simm.s32 $0x0;
	s4 =	srdreg.scid  }
0x4: {  	s1 =	stileid.u32;
	s13 =	simm.s32 $0x5;
	s14 =	simm.s32 $0x200  }
0x5: {  	s15 =	simm.s32 $0x80;
	s16 =	simm.s32 $0x400;
	s17 =	simm.s32 $0x800  }
0x6: {  	s18 =	simm.s32 $0x600;
	s19 =	simm.s32 $0x8800;
	s20 =	simm.s32 $0x1  }
0x7: {  	s28 =	simm.s32 $0x4;
	s29 =	simm.s32 $0x500;
	s30 =	simm.s32 $0x700  }
0x8: {  	s31 =	simm.s32 $0x580;
	[smem:$0x7FF] =	sst s2;
	s3 =	sadd.s32 $0x1800, s0  }
0x9: {  	s7 =	sand.u32 $0x1, s4;
	s8 =	sshll.u32 s1, $0x1;
	s4 =	sadd.s32 $0x201800, s0  }
0xa: {  	s10 =	sadd.s32 $0x401800, s0;
	s0 =	sadd.s32 $0x441800, s0;
	s9 =	ssub.s32 $0x2, s7  }
0xb: {  	_ =	strace $0x80000047;
	s7 =	sor.u32 s7, s8;
	s21 =	sshrl.u32 s9, $0x1  }
0xc: {  	s11 =	sshll.u32 s7, $0x6;
	s23 =	sshll.u32 s7, $0xD;
	s12 =	ssub.s32 s9, s21  }
0xd: {  	s5 =	sadd.s32 s5, s11;
	s22 =	sadd.s32 s6, s11;
	s24 =	sadd.s32 s10, s23  }
0xe: {  	s7 =	sor.u32 $0x800, s23;
	s25 =	sor.u32 $0x1000, s23;
	[dreg:$0x4] =	wrdreg s5  }
0xf: {  	s26 =	sor.u32 $0x1800, s23;
	s21 =	simm.s32 $0x3;
	[dreg:$0x5] =	wrdreg s22  }
0x10: {  	[dreg:$0x6] =	wrdreg s24;
	s5 =	sadd.s32 s0, s23;
	s6 =	sadd.s32 s10, s7  }
0x11: {  	s7 =	sadd.s32 s0, s7;
	s8 =	sadd.s32 s10, s25;
	s9 =	sadd.s32 s0, s25  }
0x12: {  	s10 =	sadd.s32 s10, s26;
	s11 =	sadd.s32 s0, s26;
	s12 =	smax.u32 s12, $0x1  }
0x13: {  	s22 =	simm.s32 $0x480;
	s23 =	simm.s32 $0x4800;
	s24 =	simm.s32 $0x680  }
0x14: {  	s25 =	simm.s32 $0xC800;
	s26 =	simm.s32 $0x2;
	s0 =	simm.s32 $0x780  }
.LBB2_1:
0x15: {  	s1 =	rddreg [dreg:$0x4]  }
0x16: {  	[tilespmem:s2], [sflag:$0x5] =	stream.linear.gather [hbm4b:s1+s2], $0x200, $0x38;
	[tilespmem:$0x10800] =	vst v63  }
0x17: {  	_ =	swait.ge [sflag:s13], $0x200  }
0x18: {  	[sflag:s13] =	ssyncset.done $0x0  }
0x19: {  	s1 =	rddreg [dreg:$0x5];
	[sflag:s13] =	ssyncadd.s32 $0xFFFFFE00  }
0x1a: {  	[tilespmem:s14], [sflag:$0x5] =	stream.linear.gather [hbm4b:s1+s2], $0x200, $0x38;
	[tilespmem:$0x10800] =	vst v63  }
0x1b: {  	_ =	swait.ge [sflag:s13], $0x200  }
0x1c: {  	[sflag:s13] =	ssyncset.done $0x0  }
0x1d: {  	[sflag:s13] =	ssyncadd.s32 $0xFFFFFE00  }
0x1e: {  	v0 =	vld [tilespmem:$0x0]  }
0x1f: {  	v1 =	vld [tilespmem:$0x200]  }
0x20: {  	v2 =	vld [tilespmem:$0x10]  }
0x21: {  	v3 =	vld [tilespmem:$0x210]  }
0x22: {  	v4 =	vld [tilespmem:$0x20]  }
0x23: {  	v5 =	vld [tilespmem:$0x220];
	v0 =	vand.u32 $0x1FFFF, v0  }
0x24: {  	v57 =	vld [tilespmem:$0x30];
	v56 =	vand.u32 $0x1FFFF, v1;
	[tilespmem:$0x400] =	vst v0  }
0x25: {  	v59 =	vld [tilespmem:$0x230];
	v58 =	vand.u32 $0x1FFFF, v2;
	[tilespmem:$0x600] =	vst v56  }
0x26: {  	v61 =	vld [tilespmem:$0x40];
	v60 =	vand.u32 $0x1FFFF, v3;
	[tilespmem:$0x410] =	vst v58  }
0x27: {  	v63 =	vld [tilespmem:$0x240];
	v62 =	vand.u32 $0x1FFFF, v4;
	[tilespmem:$0x610] =	vst v60  }
0x28: {  	v9 =	vld [tilespmem:$0x50];
	v8 =	vand.u32 $0x1FFFF, v5;
	[tilespmem:$0x420] =	vst v62  }
0x29: {  	v11 =	vld [tilespmem:$0x250];
	v10 =	vand.u32 $0x1FFFF, v57;
	[tilespmem:$0x620] =	vst v8  }
0x2a: {  	v13 =	vld [tilespmem:$0x60];
	v12 =	vand.u32 $0x1FFFF, v59;
	[tilespmem:$0x430] =	vst v10  }
0x2b: {  	v15 =	vld [tilespmem:$0x260];
	v14 =	vand.u32 $0x1FFFF, v61;
	[tilespmem:$0x630] =	vst v12  }
0x2c: {  	v17 =	vld [tilespmem:$0x70];
	v16 =	vand.u32 $0x1FFFF, v63;
	[tilespmem:$0x440] =	vst v14  }
0x2d: {  	v19 =	vld [tilespmem:$0x270];
	v18 =	vand.u32 $0x1FFFF, v9;
	[tilespmem:$0x640] =	vst v16  }
0x2e: {  	v21 =	vld [tilespmem:$0x80];
	v20 =	vand.u32 $0x1FFFF, v11;
	[tilespmem:$0x450] =	vst v18  }
0x2f: {  	v23 =	vld [tilespmem:$0x280];
	v22 =	vand.u32 $0x1FFFF, v13;
	[tilespmem:$0x650] =	vst v20  }
0x30: {  	v25 =	vld [tilespmem:$0x90];
	v24 =	vand.u32 $0x1FFFF, v15;
	[tilespmem:$0x460] =	vst v22  }
0x31: {  	v27 =	vld [tilespmem:$0x290];
	v26 =	vand.u32 $0x1FFFF, v17;
	[tilespmem:$0x660] =	vst v24  }
0x32: {  	v29 =	vld [tilespmem:$0xA0];
	v28 =	vand.u32 $0x1FFFF, v19;
	[tilespmem:$0x470] =	vst v26  }
0x33: {  	v31 =	vld [tilespmem:$0x2A0];
	v30 =	vand.u32 $0x1FFFF, v21;
	[tilespmem:$0x670] =	vst v28  }
0x34: {  	v33 =	vld [tilespmem:$0xB0];
	v32 =	vand.u32 $0x1FFFF, v23;
	[tilespmem:$0x480] =	vst v30  }
0x35: {  	v35 =	vld [tilespmem:$0x2B0];
	v34 =	vand.u32 $0x1FFFF, v25;
	[tilespmem:$0x680] =	vst v32  }
0x36: {  	v37 =	vld [tilespmem:$0xC0];
	v36 =	vand.u32 $0x1FFFF, v27;
	[tilespmem:$0x490] =	vst v34  }
0x37: {  	v39 =	vld [tilespmem:$0x2C0];
	v38 =	vand.u32 $0x1FFFF, v29;
	[tilespmem:$0x690] =	vst v36  }
0x38: {  	v41 =	vld [tilespmem:$0xD0];
	v40 =	vand.u32 $0x1FFFF, v31;
	[tilespmem:$0x4A0] =	vst v38  }
0x39: {  	v43 =	vld [tilespmem:$0x2D0];
	v42 =	vand.u32 $0x1FFFF, v33;
	[tilespmem:$0x6A0] =	vst v40  }
0x3a: {  	v45 =	vld [tilespmem:$0xE0];
	v44 =	vand.u32 $0x1FFFF, v35;
	[tilespmem:$0x4B0] =	vst v42  }
0x3b: {  	v55 =	vld [tilespmem:$0x300];
	v46 =	vand.u32 $0x1FFFF, v37;
	[tilespmem:$0x6B0] =	vst v44  }
0x3c: {  	v47 =	vld [tilespmem:$0x2E0];
	v48 =	vand.u32 $0x1FFFF, v39;
	[tilespmem:$0x4C0] =	vst v46  }
0x3d: {  	v49 =	vld [tilespmem:$0xF0];
	v50 =	vand.u32 $0x1FFFF, v41;
	[tilespmem:$0x6C0] =	vst v48  }
0x3e: {  	v51 =	vld [tilespmem:$0x2F0];
	v52 =	vand.u32 $0x1FFFF, v43;
	[tilespmem:$0x4D0] =	vst v50  }
0x3f: {  	v53 =	vld [tilespmem:$0x100];
	v54 =	vand.u32 $0x1FFFF, v45;
	[tilespmem:$0x6D0] =	vst v52  }
0x40: {  	v57 =	vld [tilespmem:$0x110];
	v7 =	vand.u32 $0x1FFFF, v55;
	[tilespmem:$0x4E0] =	vst v54  }
0x41: {  	v59 =	vld [tilespmem:$0x310];
	v56 =	vand.u32 $0x1FFFF, v47;
	[tilespmem:$0x700] =	vst v7  }
0x42: {  	v61 =	vld [tilespmem:$0x120];
	v58 =	vand.u32 $0x1FFFF, v49;
	[tilespmem:$0x6E0] =	vst v56  }
0x43: {  	v63 =	vld [tilespmem:$0x320];
	v60 =	vand.u32 $0x1FFFF, v51;
	[tilespmem:$0x4F0] =	vst v58  }
0x44: {  	v62 =	vand.u32 $0x1FFFF, v53;
	v8 =	vld [tilespmem:$0x130];
	[tilespmem:$0x6F0] =	vst v60  }
0x45: {  	v10 =	vld [tilespmem:$0x330];
	[tilespmem:$0x500] =	vst v62;
	v9 =	vand.u32 $0x1FFFF, v57  }
0x46: {  	v12 =	vld [tilespmem:$0x140];
	v11 =	vand.u32 $0x1FFFF, v59;
	[tilespmem:$0x510] =	vst v9  }
0x47: {  	v14 =	vld [tilespmem:$0x340];
	v13 =	vand.u32 $0x1FFFF, v61;
	[tilespmem:$0x710] =	vst v11  }
0x48: {  	v16 =	vld [tilespmem:$0x150];
	v15 =	vand.u32 $0x1FFFF, v63;
	[tilespmem:$0x520] =	vst v13  }
0x49: {  	v18 =	vld [tilespmem:$0x350];
	[tilespmem:$0x720] =	vst v15;
	v17 =	vand.u32 $0x1FFFF, v8  }
0x4a: {  	v20 =	vld [tilespmem:$0x160];
	v19 =	vand.u32 $0x1FFFF, v10;
	[tilespmem:$0x530] =	vst v17  }
0x4b: {  	v22 =	vld [tilespmem:$0x360];
	v21 =	vand.u32 $0x1FFFF, v12;
	[tilespmem:$0x730] =	vst v19  }
0x4c: {  	v24 =	vld [tilespmem:$0x170];
	v23 =	vand.u32 $0x1FFFF, v14;
	[tilespmem:$0x540] =	vst v21  }
0x4d: {  	v26 =	vld [tilespmem:$0x370];
	v25 =	vand.u32 $0x1FFFF, v16;
	[tilespmem:$0x740] =	vst v23  }
0x4e: {  	v28 =	vld [tilespmem:$0x180];
	v27 =	vand.u32 $0x1FFFF, v18;
	[tilespmem:$0x550] =	vst v25  }
0x4f: {  	v30 =	vld [tilespmem:$0x380];
	v29 =	vand.u32 $0x1FFFF, v20;
	[tilespmem:$0x750] =	vst v27  }
0x50: {  	v32 =	vld [tilespmem:$0x190];
	v31 =	vand.u32 $0x1FFFF, v22;
	[tilespmem:$0x560] =	vst v29  }
0x51: {  	v34 =	vld [tilespmem:$0x390];
	v33 =	vand.u32 $0x1FFFF, v24;
	[tilespmem:$0x760] =	vst v31  }
0x52: {  	v36 =	vld [tilespmem:$0x1A0];
	v35 =	vand.u32 $0x1FFFF, v26;
	[tilespmem:$0x570] =	vst v33  }
0x53: {  	v38 =	vld [tilespmem:$0x3A0];
	v37 =	vand.u32 $0x1FFFF, v28;
	[tilespmem:$0x770] =	vst v35  }
0x54: {  	v40 =	vld [tilespmem:$0x1B0];
	v39 =	vand.u32 $0x1FFFF, v30;
	[tilespmem:$0x580] =	vst v37  }
0x55: {  	v42 =	vld [tilespmem:$0x3B0];
	v41 =	vand.u32 $0x1FFFF, v32;
	[tilespmem:$0x780] =	vst v39  }
0x56: {  	v44 =	vld [tilespmem:$0x1C0];
	v43 =	vand.u32 $0x1FFFF, v34;
	[tilespmem:$0x590] =	vst v41  }
0x57: {  	v46 =	vld [tilespmem:$0x3C0];
	v45 =	vand.u32 $0x1FFFF, v36;
	[tilespmem:$0x790] =	vst v43  }
0x58: {  	v48 =	vld [tilespmem:$0x1D0];
	v47 =	vand.u32 $0x1FFFF, v38;
	[tilespmem:$0x5A0] =	vst v45  }
0x59: {  	v50 =	vld [tilespmem:$0x3D0];
	v49 =	vand.u32 $0x1FFFF, v40;
	[tilespmem:$0x7A0] =	vst v47  }
0x5a: {  	v52 =	vld [tilespmem:$0x1E0];
	v51 =	vand.u32 $0x1FFFF, v42;
	[tilespmem:$0x5B0] =	vst v49  }
0x5b: {  	v54 =	vld [tilespmem:$0x3E0];
	v53 =	vand.u32 $0x1FFFF, v44;
	[tilespmem:$0x7B0] =	vst v51  }
0x5c: {  	v56 =	vld [tilespmem:$0x1F0];
	v55 =	vand.u32 $0x1FFFF, v46;
	[tilespmem:$0x5C0] =	vst v53  }
0x5d: {  	v58 =	vld [tilespmem:$0x3F0];
	v57 =	vand.u32 $0x1FFFF, v48;
	[tilespmem:$0x7C0] =	vst v55  }
0x5e: {  	v59 =	vand.u32 $0x1FFFF, v50;
	[tilespmem:$0x5D0] =	vst v57  }
0x5f: {  	v60 =	vand.u32 $0x1FFFF, v52;
	[tilespmem:$0x7D0] =	vst v59  }
0x60: {  	v61 =	vand.u32 $0x1FFFF, v54;
	[tilespmem:$0x5E0] =	vst v60  }
0x61: {  	[tilespmem:$0x7E0] =	vst v61;
	v62 =	vand.u32 $0x1FFFF, v56  }
0x62: {  	v63 =	vand.u32 $0x1FFFF, v58;
	[tilespmem:$0x5F0] =	vst v62  }
0x63: {  	[tilespmem:$0x7F0] =	vst v63  }
0x64: {  	[tilespmem:s17], [sflag:$0x1] =	stream.indirect.gather [hbm4b:s3+s15], $0x80, s16, s15, $0xb8;
	[tilespmem:$0x10800] =	vst v63  }
0x65: {  	_ = 	snop  }
0x66: {  	[tilespmem:s19], [sflag:$0x3] =	stream.indirect.gather [hbm4b:s4+s15], $0x80, s18, s15, $0xb8;
	[tilespmem:$0x10800] =	vst v63  }
0x67: {  	_ =	swait.ge [sflag:s20], $0x4000  }
0x68: {  	[sflag:s20] =	ssyncset.done $0x0  }
0x69: {  	[sflag:s20] =	ssyncadd.s32 $0xFFFFC000  }
0x6a: {  	_ =	swait.ge [sflag:s21], $0x4000  }
0x6b: {  	[sflag:s21] =	ssyncset.done $0x0  }
0x6c: {  	[sflag:s21] =	ssyncadd.s32 $0xFFFFC000  }
0x6d: {  	[tilespmem:s23], [sflag:$0x2] =	stream.indirect.gather [hbm4b:s3+s15], $0x80, s22, s15, $0xb8;
	[tilespmem:$0x10800] =	vst v63  }
0x6e: {  	_ = 	snop  }
0x6f: {  	[tilespmem:s25], [sflag:$0x4] =	stream.indirect.gather [hbm4b:s4+s15], $0x80, s24, s15, $0xb8;
	[tilespmem:$0x10800] =	vst v63  }
0x70: {  	s1 =	rddreg [dreg:$0x6]  }
0x71: {  	[hbm4b:s1+s2] =	stream.linear.scatter [tilespmem:s17], [sflag:$0x5], $0x4000, $0x38;
	[tilespmem:$0x10800] =	vst v63  }
0x72: {  	_ =	swait.ge [sflag:s13], $0x4000  }
0x73: {  	[sflag:s13] =	ssyncset.done $0x0  }
0x74: {  	[sflag:s13] =	ssyncadd.s32 $0xFFFFC000  }
0x75: {  	[hbm4b:s5+s2] =	stream.linear.scatter [tilespmem:s19], [sflag:$0x5], $0x4000, $0x38;
	[tilespmem:$0x10800] =	vst v63  }
0x76: {  	_ =	swait.ge [sflag:s13], $0x4000  }
0x77: {  	[sflag:s13] =	ssyncset.done $0x0  }
0x78: {  	[sflag:s13] =	ssyncadd.s32 $0xFFFFC000  }
0x79: {  	_ =	swait.ge [sflag:s26], $0x4000  }
0x7a: {  	[sflag:s26] =	ssyncset.done $0x0  }
0x7b: {  	[sflag:s26] =	ssyncadd.s32 $0xFFFFC000  }
0x7c: {  	_ =	swait.ge [sflag:s28], $0x4000  }
0x7d: {  	[sflag:s28] =	ssyncset.done $0x0  }
0x7e: {  	[sflag:s28] =	ssyncadd.s32 $0xFFFFC000  }
0x7f: {  	[tilespmem:s17], [sflag:$0x1] =	stream.indirect.gather [hbm4b:s3+s15], $0x80, s29, s15, $0xb8;
	[tilespmem:$0x10800] =	vst v63  }
0x80: {  	_ = 	snop  }
0x81: {  	[tilespmem:s19], [sflag:$0x3] =	stream.indirect.gather [hbm4b:s4+s15], $0x80, s30, s15, $0xb8;
	[tilespmem:$0x10800] =	vst v63  }
0x82: {  	_ = 	snop  }
0x83: {  	[hbm4b:s6+s2] =	stream.linear.scatter [tilespmem:s23], [sflag:$0x5], $0x4000, $0x38;
	[tilespmem:$0x10800] =	vst v63  }
0x84: {  	_ =	swait.ge [sflag:s13], $0x4000  }
0x85: {  	[sflag:s13] =	ssyncset.done $0x0  }
0x86: {  	[sflag:s13] =	ssyncadd.s32 $0xFFFFC000  }
0x87: {  	[hbm4b:s7+s2] =	stream.linear.scatter [tilespmem:s25], [sflag:$0x5], $0x4000, $0x38;
	[tilespmem:$0x10800] =	vst v63  }
0x88: {  	_ =	swait.ge [sflag:s13], $0x4000  }
0x89: {  	[sflag:s13] =	ssyncset.done $0x0  }
0x8a: {  	[sflag:s13] =	ssyncadd.s32 $0xFFFFC000  }
0x8b: {  	_ =	swait.ge [sflag:s20], $0x4000  }
0x8c: {  	[sflag:s20] =	ssyncset.done $0x0  }
0x8d: {  	[sflag:s20] =	ssyncadd.s32 $0xFFFFC000  }
0x8e: {  	_ =	swait.ge [sflag:s21], $0x4000  }
0x8f: {  	[sflag:s21] =	ssyncset.done $0x0  }
0x90: {  	[sflag:s21] =	ssyncadd.s32 $0xFFFFC000  }
0x91: {  	[tilespmem:s23], [sflag:$0x2] =	stream.indirect.gather [hbm4b:s3+s15], $0x80, s31, s15, $0xb8;
	[tilespmem:$0x10800] =	vst v63  }
0x92: {  	_ = 	snop  }
0x93: {  	[tilespmem:s25], [sflag:$0x4] =	stream.indirect.gather [hbm4b:s4+s15], $0x80, s0, s15, $0xb8;
	[tilespmem:$0x10800] =	vst v63  }
0x94: {  	_ = 	snop  }
0x95: {  	[hbm4b:s8+s2] =	stream.linear.scatter [tilespmem:s17], [sflag:$0x5], $0x4000, $0x38;
	[tilespmem:$0x10800] =	vst v63  }
0x96: {  	_ =	swait.ge [sflag:s13], $0x4000  }
0x97: {  	[sflag:s13] =	ssyncset.done $0x0  }
0x98: {  	[sflag:s13] =	ssyncadd.s32 $0xFFFFC000  }
0x99: {  	[hbm4b:s9+s2] =	stream.linear.scatter [tilespmem:s19], [sflag:$0x5], $0x4000, $0x38;
	[tilespmem:$0x10800] =	vst v63  }
0x9a: {  	_ =	swait.ge [sflag:s13], $0x4000  }
0x9b: {  	[sflag:s13] =	ssyncset.done $0x0  }
0x9c: {  	[sflag:s13] =	ssyncadd.s32 $0xFFFFC000  }
0x9d: {  	_ =	swait.ge [sflag:s26], $0x4000  }
0x9e: {  	[sflag:s26] =	ssyncset.done $0x0  }
0x9f: {  	[sflag:s26] =	ssyncadd.s32 $0xFFFFC000  }
0xa0: {  	_ =	swait.ge [sflag:s28], $0x4000  }
0xa1: {  	[sflag:s28] =	ssyncset.done $0x0  }
0xa2: {  	[sflag:s28] =	ssyncadd.s32 $0xFFFFC000  }
0xa3: {  	[hbm4b:s10+s2] =	stream.linear.scatter [tilespmem:s23], [sflag:$0x5], $0x4000, $0x38;
	[tilespmem:$0x10800] =	vst v63  }
0xa4: {  	_ =	swait.ge [sflag:s13], $0x4000  }
0xa5: {  	p0 =	sne.s32 s12, $0x1;
	[sflag:s13] =	ssyncset.done $0x0  }
.Ltmp0:
0xa6: {  	[sflag:s13] =	ssyncadd.s32 $0xFFFFC000;
	(pc) =	sbr.rel @p0 .LBB2_1-.Ltmp0, $4  }
0xa7: {  	[hbm4b:s11+s2] =	stream.linear.scatter [tilespmem:s25], [sflag:$0x5], $0x4000, $0x38;
	[tilespmem:$0x10800] =	vst v63  }
0xa8: {  	_ =	swait.ge [sflag:s13], $0x4000  }
0xa9: {  	[sflag:s13] =	ssyncset.done $0x0  }
0xaa: {  	s12 =	sadd.s32 $0xFFFFFFFF, s12;
	[sflag:s13] =	ssyncadd.s32 $0xFFFFC000  }
0xab: {  	_ =	sfence.sel $0x180000  }
0xac: {  	[bflag:$0x0] =	sbarrier.arrive $0xFFFF  }
0xad: {  	_ =	strace $0x90000047  }
0xae: {  	s0 =	stileid.u32;
	[bflag:$0x2] =	sbarrier.arrive $0xFFFF  }
0xaf: {  	p0 =	sne.s32 s0, $0x0;
	s0 =	rddreg [dreg:$0x3]  }
0xb0: {  	s0 =	sadd.s32 @!p0 $0x100000, s0  }
0xb1: {  	[sflag:s0] =	ssyncadd.tile.s32 @!p0 $0x1;
	_ =	shalt  }
.Lfunc_end2:
_tile_overlayer_lowered:
.L_overlay_start_2:
0xb2: {  	(tag) =	ssettag $0x2  }
0xb3: {  	s0 =	rddreg [dreg:$0x0];
	s2 =	stileid.u32  }
0xb4: {  	s1 =	rddreg [dreg:$0x1];
	p0 =	sne.s32 s2, $0x0  }
0xb5: {  	s3 =	rddreg [dreg:$0x2];
	[bflag:$0x3] =	sbarrier.arrive $0xFFFF;
	s2 =	simm.s32 @!p0 $0x1C05  }
0xb6: {  	[timem:s3], [sflag:s2] =	dma.local @!p0 [hbm:s0], s1  }
0xb7: {  	s0 =	simm.s32 @!p0 $0x5  }
0xb8: {  	_ =	swait.ge @!p0 [sflag:s0], s1  }
0xb9: {  	s1 =	ssub.s32 @!p0 $0x0, s1;
	[sflag:s0] =	ssyncset.done @!p0 $0x0  }
0xba: {  	[sflag:s0] =	ssyncadd.s32 @!p0 s1  }
0xbb: {  	[bflag:$0x3] =	sbarrier.arrive $0xFFFF  }
0xbc: {  	_ =	shalt  }

</sc_bundles>
